<compile_context>
chip_gen: v7x
topology: tpu7x:2x2x1
jax: 0.10.2.dev20260603
libtpu: 0.0.44.dev20260713+nightly
codegen_flags: <defaults>
</compile_context>

<pallas_src>
import functools

import jax
import jax.numpy as jnp
from jax import lax
from jax.experimental import pallas as pl
from jax.experimental.pallas import tpu as pltpu
from jax.experimental.pallas import tpu_sc as plsc

EMB = 64
NC = 2
NS = 16
NW = NC * NS
GRP = 2
NBUF = 8
D = 5


def _gather_body(t_hbm, table_hbm, out_hbm, idx_v, rows_v, gsem, ssem):
    wid = lax.axis_index("s") * NC + lax.axis_index("c")
    n_i, seq = idx_v.shape
    base = wid * n_i
    n_chunks = n_i // GRP
    pltpu.sync_copy(t_hbm.at[pl.ds(base, n_i)], idx_v)

    def gather(li, slot):
        for k in range(GRP):
            pltpu.make_async_copy(
                table_hbm.at[idx_v.at[li * GRP + k]], rows_v.at[slot, k],
                gsem.at[slot]).start()

    def gather_wait(li, slot):
        for k in range(GRP):
            pltpu.make_async_copy(
                table_hbm.at[idx_v.at[li * GRP + k]], rows_v.at[slot, k],
                gsem.at[slot]).wait()

    def store(li, slot):
        return pltpu.make_async_copy(
            rows_v.at[slot],
            out_hbm.at[pl.ds(base + li * GRP, GRP), pl.ds(0, seq),
                       pl.ds(0, rows_v.shape[3])],
            ssem.at[slot])

    for b in range(D):
        gather(b, b)

    def body(li, carry):
        slot = lax.rem(li, NBUF)
        gather_wait(li, slot)
        store(li, slot).start()
        nxt = li + D
        nslot = lax.rem(nxt, NBUF)

        @pl.when(nxt < n_chunks)
        def _():
            @pl.when(nxt >= NBUF)
            def _():
                store(nxt - NBUF, nslot).wait()

            gather(nxt, nslot)

        return carry

    lax.fori_loop(0, n_chunks, body, 0, unroll=False)

    for b in range(NBUF):
        li = n_chunks - NBUF + b
        store(li, li % NBUF).wait()


def kernel(t, pos_embeddings):
    B, S = t.shape
    V, E = pos_embeddings.shape
    assert E == EMB and B % (NW * GRP) == 0
    n_i = B // NW

    mesh = plsc.VectorSubcoreMesh(core_axis_name="c", subcore_axis_name="s")

    s_pad = (S + 7) // 8 * 8
    run = functools.partial(
        pl.kernel,
        out_type=jax.ShapeDtypeStruct((B, s_pad, 2 * EMB), jnp.float32),
        mesh=mesh,
        scratch_types=[
            pltpu.VMEM((n_i, S), jnp.int32),
            pltpu.VMEM((NBUF, GRP, S, EMB), jnp.float32),
            pltpu.SemaphoreType.DMA((NBUF,)),
            pltpu.SemaphoreType.DMA((NBUF,)),
        ],
        compiler_params=pltpu.CompilerParams(use_tc_tiling_on_sc=False),
    )(_gather_body)

    out = run(t, pos_embeddings)
    return out[:, :S, :EMB]

# --- scband reference (transcript-rebuilt; emitter-appended) ---
"""Pipeline reference for scband-positional-encoding-18150531793034 (READ-ONLY COPY).

The authoritative reference and input builder live on the scoring server;
editing this copy changes nothing except your own understanding.
"""

import jax, jax.numpy as jnp
import numpy as np

MAX_T = 100000
EMB = 64
N_BASE = 10000


def _build_table():
    i = jnp.arange(EMB // 2, dtype=jnp.float32)
    k = jnp.arange(MAX_T, dtype=jnp.float32)[:, None]
    angles = k / (N_BASE ** (2.0 * i / EMB))
    tab = jnp.zeros((MAX_T, EMB), dtype=jnp.float32)
    tab = tab.at[:, 0::2].set(jnp.sin(angles))
    tab = tab.at[:, 1::2].set(jnp.cos(angles))
    return tab


def setup_inputs(seed: int = 0) -> dict:
    key = jax.random.key(seed)
    t = jax.random.randint(key, (16384, 50), 0, MAX_T, dtype=jnp.int32)
    pos_embeddings = _build_table()
    return {"t": t, "pos_embeddings": pos_embeddings}


def reference(t, pos_embeddings):
    # Faithful translation of PositionalEncoding.forward: table row gather.
    return jnp.take(pos_embeddings, t, axis=0)

if __name__ == "__main__":
    import jax
    _d = setup_inputs()
    print(jax.jit(kernel)(*tuple(_d.values())))

</pallas_src>

<mosaic_0001>
#map = affine_map<(d0, d1) -> (0, 0)>
#map1 = affine_map<(d0, d1) -> (0, 0, 0)>
module attributes {stable_mosaic.version = 14 : i64} {
  func.func @_gather_body(%arg0: i32, %arg1: i32, %arg2: memref<16384x50xi32, #tpu.memory_space<hbm>>, %arg3: memref<100000x64xf32, #tpu.memory_space<hbm>>, %arg4: memref<16384x56x128xf32, #tpu.memory_space<hbm>>, %arg5: memref<512x50xi32, #tpu.memory_space<vmem>>, %arg6: memref<8x2x50x64xf32, #tpu.memory_space<vmem>>, %arg7: memref<8x!tpu.dma_semaphore, #tpu.memory_space<semaphore_mem>>, %arg8: memref<8x!tpu.dma_semaphore, #tpu.memory_space<semaphore_mem>>) attributes {dimension_semantics = [#tpu.dimension_semantics<core_parallel>, #tpu.dimension_semantics<subcore_parallel>], iteration_bounds = array<i64: 2, 16>, scalar_prefetch = 0 : i64, scratch_operands = 4 : i64, tpu.core_type = #tpu.core_type<sc_vector_subcore>, window_params = [{transform_indices = #map}, {transform_indices = #map}, {transform_indices = #map1}]} {
    %mul3A = arith.constant 2 : i32
    %mul3A_0 = arith.muli %arg1, %mul3A : i32
    %add3A = arith.addi %mul3A_0, %arg0 : i32
    %mul3A_1 = arith.constant 512 : i32
    %mul3A_2 = arith.muli %add3A, %mul3A_1 : i32
    "tpu.region"() ({
      %run_scoped3A = tpu.sem_alloc : memref<!tpu.dma_semaphore, #tpu.memory_space<semaphore_mem>>
      %dma_start3A_342 = arith.constant 0 : i32
      %dma_start3A_343 = tpu.memref_slice %arg2[%mul3A_2, %dma_start3A_342] : memref<16384x50xi32, #tpu.memory_space<hbm>> -> memref<512x50xi32, #tpu.memory_space<hbm>>
      %dma_start3A_344 = arith.constant 0 : i32
      %dma_start3A_345 = tpu.memref_slice %arg2[%mul3A_2, %dma_start3A_344] : memref<16384x50xi32, #tpu.memory_space<hbm>> -> memref<512x50xi32, #tpu.memory_space<hbm>>
      tpu.enqueue_dma source(%dma_start3A_345 : memref<512x50xi32, #tpu.memory_space<hbm>>) target(%arg5 : memref<512x50xi32, #tpu.memory_space<vmem>>) target_semaphore(%run_scoped3A : memref<!tpu.dma_semaphore, #tpu.memory_space<semaphore_mem>>)
      %dma_wait3A_346 = arith.constant 0 : i32
      %dma_wait3A_347 = tpu.memref_slice %arg2[%mul3A_2, %dma_wait3A_346] : memref<16384x50xi32, #tpu.memory_space<hbm>> -> memref<512x50xi32, #tpu.memory_space<hbm>>
      %dma_wait3A_348 = arith.constant 0 : i32
      %dma_wait3A_349 = tpu.memref_slice %arg2[%mul3A_2, %dma_wait3A_348] : memref<16384x50xi32, #tpu.memory_space<hbm>> -> memref<512x50xi32, #tpu.memory_space<hbm>>
      tpu.wait_dma2 semaphore(%run_scoped3A : memref<!tpu.dma_semaphore, #tpu.memory_space<semaphore_mem>>) src(%dma_wait3A_349 : memref<512x50xi32, #tpu.memory_space<hbm>>) dst(%arg5 : memref<512x50xi32, #tpu.memory_space<vmem>>)
      tpu.yield
    }) : () -> ()
    %dma_start3A = arith.constant 0 : i32
    %dma_start3A_3 = arith.constant 0 : i32
    %dma_start3A_4 = arith.constant 0 : i32
    %dma_start3A_5 = arith.constant 0 : i32
    %dma_start3A_6 = arith.constant 0 : i32
    %dma_start3A_7 = arith.constant 0 : i32
    %dma_start3A_8 = tpu.memref_slice %arg6[%dma_start3A_3, %dma_start3A_4, %dma_start3A_6, %dma_start3A_7] : memref<8x2x50x64xf32, #tpu.memory_space<vmem>> -> memref<1x1x50x64xf32, #tpu.memory_space<vmem>>
    %dma_start3A_9 = tpu.memref_squeeze %dma_start3A_8 : memref<1x1x50x64xf32, #tpu.memory_space<vmem>> -> memref<50x64xf32, #tpu.memory_space<vmem>>
    %dma_start3A_10 = arith.constant 0 : i32
    %dma_start3A_11 = tpu.memref_slice %arg5[%dma_start3A, %dma_start3A_10] : memref<512x50xi32, #tpu.memory_space<vmem>> -> memref<1x50xi32, #tpu.memory_space<vmem>>
    %dma_start3A_12 = tpu.memref_squeeze %dma_start3A_11 : memref<1x50xi32, #tpu.memory_space<vmem>> -> memref<50xi32, #tpu.memory_space<vmem>>
    %dma_start3A_13 = arith.constant 0 : i32
    %dma_start3A_14 = arith.constant 0 : i32
    %dma_start3A_15 = tpu.memref_slice %arg3[%dma_start3A_13, %dma_start3A_14] : memref<100000x64xf32, #tpu.memory_space<hbm>> -> memref<100000x64xf32, #tpu.memory_space<hbm>>
    %dma_start3A_16 = tpu.memref_slice %arg7[%dma_start3A_5] : memref<8x!tpu.dma_semaphore, #tpu.memory_space<semaphore_mem>> -> memref<1x!tpu.dma_semaphore, #tpu.memory_space<semaphore_mem>>
    %dma_start3A_17 = tpu.memref_squeeze %dma_start3A_16 : memref<1x!tpu.dma_semaphore, #tpu.memory_space<semaphore_mem>> -> memref<!tpu.dma_semaphore, #tpu.memory_space<semaphore_mem>>
    tpu.enqueue_indirect_dma source(%dma_start3A_15 : memref<100000x64xf32, #tpu.memory_space<hbm>>) target(%dma_start3A_9 : memref<50x64xf32, #tpu.memory_space<vmem>>) offsets(%dma_start3A_12 : memref<50xi32, #tpu.memory_space<vmem>>) semaphore(%dma_start3A_17 : memref<!tpu.dma_semaphore, #tpu.memory_space<semaphore_mem>>)
    %dma_start3A_18 = arith.constant 1 : i32
    %dma_start3A_19 = arith.constant 0 : i32
    %dma_start3A_20 = arith.constant 1 : i32
    %dma_start3A_21 = arith.constant 0 : i32
    %dma_start3A_22 = arith.constant 0 : i32
    %dma_start3A_23 = arith.constant 0 : i32
    %dma_start3A_24 = tpu.memref_slice %arg6[%dma_start3A_19, %dma_start3A_20, %dma_start3A_22, %dma_start3A_23] : memref<8x2x50x64xf32, #tpu.memory_space<vmem>> -> memref<1x1x50x64xf32, #tpu.memory_space<vmem>>
    %dma_start3A_25 = tpu.memref_squeeze %dma_start3A_24 : memref<1x1x50x64xf32, #tpu.memory_space<vmem>> -> memref<50x64xf32, #tpu.memory_space<vmem>>
    %dma_start3A_26 = arith.constant 0 : i32
    %dma_start3A_27 = tpu.memref_slice %arg5[%dma_start3A_18, %dma_start3A_26] : memref<512x50xi32, #tpu.memory_space<vmem>> -> memref<1x50xi32, #tpu.memory_space<vmem>>
    %dma_start3A_28 = tpu.memref_squeeze %dma_start3A_27 : memref<1x50xi32, #tpu.memory_space<vmem>> -> memref<50xi32, #tpu.memory_space<vmem>>
    %dma_start3A_29 = arith.constant 0 : i32
    %dma_start3A_30 = arith.constant 0 : i32
    %dma_start3A_31 = tpu.memref_slice %arg3[%dma_start3A_29, %dma_start3A_30] : memref<100000x64xf32, #tpu.memory_space<hbm>> -> memref<100000x64xf32, #tpu.memory_space<hbm>>
    %dma_start3A_32 = tpu.memref_slice %arg7[%dma_start3A_21] : memref<8x!tpu.dma_semaphore, #tpu.memory_space<semaphore_mem>> -> memref<1x!tpu.dma_semaphore, #tpu.memory_space<semaphore_mem>>
    %dma_start3A_33 = tpu.memref_squeeze %dma_start3A_32 : memref<1x!tpu.dma_semaphore, #tpu.memory_space<semaphore_mem>> -> memref<!tpu.dma_semaphore, #tpu.memory_space<semaphore_mem>>
    tpu.enqueue_indirect_dma source(%dma_start3A_31 : memref<100000x64xf32, #tpu.memory_space<hbm>>) target(%dma_start3A_25 : memref<50x64xf32, #tpu.memory_space<vmem>>) offsets(%dma_start3A_28 : memref<50xi32, #tpu.memory_space<vmem>>) semaphore(%dma_start3A_33 : memref<!tpu.dma_semaphore, #tpu.memory_space<semaphore_mem>>)
    %dma_start3A_34 = arith.constant 2 : i32
    %dma_start3A_35 = arith.constant 1 : i32
    %dma_start3A_36 = arith.constant 0 : i32
    %dma_start3A_37 = arith.constant 1 : i32
    %dma_start3A_38 = arith.constant 0 : i32
    %dma_start3A_39 = arith.constant 0 : i32
    %dma_start3A_40 = tpu.memref_slice %arg6[%dma_start3A_35, %dma_start3A_36, %dma_start3A_38, %dma_start3A_39] : memref<8x2x50x64xf32, #tpu.memory_space<vmem>> -> memref<1x1x50x64xf32, #tpu.memory_space<vmem>>
    %dma_start3A_41 = tpu.memref_squeeze %dma_start3A_40 : memref<1x1x50x64xf32, #tpu.memory_space<vmem>> -> memref<50x64xf32, #tpu.memory_space<vmem>>
    %dma_start3A_42 = arith.constant 0 : i32
    %dma_start3A_43 = tpu.memref_slice %arg5[%dma_start3A_34, %dma_start3A_42] : memref<512x50xi32, #tpu.memory_space<vmem>> -> memref<1x50xi32, #tpu.memory_space<vmem>>
    %dma_start3A_44 = tpu.memref_squeeze %dma_start3A_43 : memref<1x50xi32, #tpu.memory_space<vmem>> -> memref<50xi32, #tpu.memory_space<vmem>>
    %dma_start3A_45 = arith.constant 0 : i32
    %dma_start3A_46 = arith.constant 0 : i32
    %dma_start3A_47 = tpu.memref_slice %arg3[%dma_start3A_45, %dma_start3A_46] : memref<100000x64xf32, #tpu.memory_space<hbm>> -> memref<100000x64xf32, #tpu.memory_space<hbm>>
    %dma_start3A_48 = tpu.memref_slice %arg7[%dma_start3A_37] : memref<8x!tpu.dma_semaphore, #tpu.memory_space<semaphore_mem>> -> memref<1x!tpu.dma_semaphore, #tpu.memory_space<semaphore_mem>>
    %dma_start3A_49 = tpu.memref_squeeze %dma_start3A_48 : memref<1x!tpu.dma_semaphore, #tpu.memory_space<semaphore_mem>> -> memref<!tpu.dma_semaphore, #tpu.memory_space<semaphore_mem>>
    tpu.enqueue_indirect_dma source(%dma_start3A_47 : memref<100000x64xf32, #tpu.memory_space<hbm>>) target(%dma_start3A_41 : memref<50x64xf32, #tpu.memory_space<vmem>>) offsets(%dma_start3A_44 : memref<50xi32, #tpu.memory_space<vmem>>) semaphore(%dma_start3A_49 : memref<!tpu.dma_semaphore, #tpu.memory_space<semaphore_mem>>)
    %dma_start3A_50 = arith.constant 3 : i32
    %dma_start3A_51 = arith.constant 1 : i32
    %dma_start3A_52 = arith.constant 1 : i32
    %dma_start3A_53 = arith.constant 1 : i32
    %dma_start3A_54 = arith.constant 0 : i32
    %dma_start3A_55 = arith.constant 0 : i32
    %dma_start3A_56 = tpu.memref_slice %arg6[%dma_start3A_51, %dma_start3A_52, %dma_start3A_54, %dma_start3A_55] : memref<8x2x50x64xf32, #tpu.memory_space<vmem>> -> memref<1x1x50x64xf32, #tpu.memory_space<vmem>>
    %dma_start3A_57 = tpu.memref_squeeze %dma_start3A_56 : memref<1x1x50x64xf32, #tpu.memory_space<vmem>> -> memref<50x64xf32, #tpu.memory_space<vmem>>
    %dma_start3A_58 = arith.constant 0 : i32
    %dma_start3A_59 = tpu.memref_slice %arg5[%dma_start3A_50, %dma_start3A_58] : memref<512x50xi32, #tpu.memory_space<vmem>> -> memref<1x50xi32, #tpu.memory_space<vmem>>
    %dma_start3A_60 = tpu.memref_squeeze %dma_start3A_59 : memref<1x50xi32, #tpu.memory_space<vmem>> -> memref<50xi32, #tpu.memory_space<vmem>>
    %dma_start3A_61 = arith.constant 0 : i32
    %dma_start3A_62 = arith.constant 0 : i32
    %dma_start3A_63 = tpu.memref_slice %arg3[%dma_start3A_61, %dma_start3A_62] : memref<100000x64xf32, #tpu.memory_space<hbm>> -> memref<100000x64xf32, #tpu.memory_space<hbm>>
    %dma_start3A_64 = tpu.memref_slice %arg7[%dma_start3A_53] : memref<8x!tpu.dma_semaphore, #tpu.memory_space<semaphore_mem>> -> memref<1x!tpu.dma_semaphore, #tpu.memory_space<semaphore_mem>>
    %dma_start3A_65 = tpu.memref_squeeze %dma_start3A_64 : memref<1x!tpu.dma_semaphore, #tpu.memory_space<semaphore_mem>> -> memref<!tpu.dma_semaphore, #tpu.memory_space<semaphore_mem>>
    tpu.enqueue_indirect_dma source(%dma_start3A_63 : memref<100000x64xf32, #tpu.memory_space<hbm>>) target(%dma_start3A_57 : memref<50x64xf32, #tpu.memory_space<vmem>>) offsets(%dma_start3A_60 : memref<50xi32, #tpu.memory_space<vmem>>) semaphore(%dma_start3A_65 : memref<!tpu.dma_semaphore, #tpu.memory_space<semaphore_mem>>)
    %dma_start3A_66 = arith.constant 4 : i32
    %dma_start3A_67 = arith.constant 2 : i32
    %dma_start3A_68 = arith.constant 0 : i32
    %dma_start3A_69 = arith.constant 2 : i32
    %dma_start3A_70 = arith.constant 0 : i32
    %dma_start3A_71 = arith.constant 0 : i32
    %dma_start3A_72 = tpu.memref_slice %arg6[%dma_start3A_67, %dma_start3A_68, %dma_start3A_70, %dma_start3A_71] : memref<8x2x50x64xf32, #tpu.memory_space<vmem>> -> memref<1x1x50x64xf32, #tpu.memory_space<vmem>>
    %dma_start3A_73 = tpu.memref_squeeze %dma_start3A_72 : memref<1x1x50x64xf32, #tpu.memory_space<vmem>> -> memref<50x64xf32, #tpu.memory_space<vmem>>
    %dma_start3A_74 = arith.constant 0 : i32
    %dma_start3A_75 = tpu.memref_slice %arg5[%dma_start3A_66, %dma_start3A_74] : memref<512x50xi32, #tpu.memory_space<vmem>> -> memref<1x50xi32, #tpu.memory_space<vmem>>
    %dma_start3A_76 = tpu.memref_squeeze %dma_start3A_75 : memref<1x50xi32, #tpu.memory_space<vmem>> -> memref<50xi32, #tpu.memory_space<vmem>>
    %dma_start3A_77 = arith.constant 0 : i32
    %dma_start3A_78 = arith.constant 0 : i32
    %dma_start3A_79 = tpu.memref_slice %arg3[%dma_start3A_77, %dma_start3A_78] : memref<100000x64xf32, #tpu.memory_space<hbm>> -> memref<100000x64xf32, #tpu.memory_space<hbm>>
    %dma_start3A_80 = tpu.memref_slice %arg7[%dma_start3A_69] : memref<8x!tpu.dma_semaphore, #tpu.memory_space<semaphore_mem>> -> memref<1x!tpu.dma_semaphore, #tpu.memory_space<semaphore_mem>>
    %dma_start3A_81 = tpu.memref_squeeze %dma_start3A_80 : memref<1x!tpu.dma_semaphore, #tpu.memory_space<semaphore_mem>> -> memref<!tpu.dma_semaphore, #tpu.memory_space<semaphore_mem>>
    tpu.enqueue_indirect_dma source(%dma_start3A_79 : memref<100000x64xf32, #tpu.memory_space<hbm>>) target(%dma_start3A_73 : memref<50x64xf32, #tpu.memory_space<vmem>>) offsets(%dma_start3A_76 : memref<50xi32, #tpu.memory_space<vmem>>) semaphore(%dma_start3A_81 : memref<!tpu.dma_semaphore, #tpu.memory_space<semaphore_mem>>)
    %dma_start3A_82 = arith.constant 5 : i32
    %dma_start3A_83 = arith.constant 2 : i32
    %dma_start3A_84 = arith.constant 1 : i32
    %dma_start3A_85 = arith.constant 2 : i32
    %dma_start3A_86 = arith.constant 0 : i32
    %dma_start3A_87 = arith.constant 0 : i32
    %dma_start3A_88 = tpu.memref_slice %arg6[%dma_start3A_83, %dma_start3A_84, %dma_start3A_86, %dma_start3A_87] : memref<8x2x50x64xf32, #tpu.memory_space<vmem>> -> memref<1x1x50x64xf32, #tpu.memory_space<vmem>>
    %dma_start3A_89 = tpu.memref_squeeze %dma_start3A_88 : memref<1x1x50x64xf32, #tpu.memory_space<vmem>> -> memref<50x64xf32, #tpu.memory_space<vmem>>
    %dma_start3A_90 = arith.constant 0 : i32
    %dma_start3A_91 = tpu.memref_slice %arg5[%dma_start3A_82, %dma_start3A_90] : memref<512x50xi32, #tpu.memory_space<vmem>> -> memref<1x50xi32, #tpu.memory_space<vmem>>
    %dma_start3A_92 = tpu.memref_squeeze %dma_start3A_91 : memref<1x50xi32, #tpu.memory_space<vmem>> -> memref<50xi32, #tpu.memory_space<vmem>>
    %dma_start3A_93 = arith.constant 0 : i32
    %dma_start3A_94 = arith.constant 0 : i32
    %dma_start3A_95 = tpu.memref_slice %arg3[%dma_start3A_93, %dma_start3A_94] : memref<100000x64xf32, #tpu.memory_space<hbm>> -> memref<100000x64xf32, #tpu.memory_space<hbm>>
    %dma_start3A_96 = tpu.memref_slice %arg7[%dma_start3A_85] : memref<8x!tpu.dma_semaphore, #tpu.memory_space<semaphore_mem>> -> memref<1x!tpu.dma_semaphore, #tpu.memory_space<semaphore_mem>>
    %dma_start3A_97 = tpu.memref_squeeze %dma_start3A_96 : memref<1x!tpu.dma_semaphore, #tpu.memory_space<semaphore_mem>> -> memref<!tpu.dma_semaphore, #tpu.memory_space<semaphore_mem>>
    tpu.enqueue_indirect_dma source(%dma_start3A_95 : memref<100000x64xf32, #tpu.memory_space<hbm>>) target(%dma_start3A_89 : memref<50x64xf32, #tpu.memory_space<vmem>>) offsets(%dma_start3A_92 : memref<50xi32, #tpu.memory_space<vmem>>) semaphore(%dma_start3A_97 : memref<!tpu.dma_semaphore, #tpu.memory_space<semaphore_mem>>)
    %dma_start3A_98 = arith.constant 6 : i32
    %dma_start3A_99 = arith.constant 3 : i32
    %dma_start3A_100 = arith.constant 0 : i32
    %dma_start3A_101 = arith.constant 3 : i32
    %dma_start3A_102 = arith.constant 0 : i32
    %dma_start3A_103 = arith.constant 0 : i32
    %dma_start3A_104 = tpu.memref_slice %arg6[%dma_start3A_99, %dma_start3A_100, %dma_start3A_102, %dma_start3A_103] : memref<8x2x50x64xf32, #tpu.memory_space<vmem>> -> memref<1x1x50x64xf32, #tpu.memory_space<vmem>>
    %dma_start3A_105 = tpu.memref_squeeze %dma_start3A_104 : memref<1x1x50x64xf32, #tpu.memory_space<vmem>> -> memref<50x64xf32, #tpu.memory_space<vmem>>
    %dma_start3A_106 = arith.constant 0 : i32
    %dma_start3A_107 = tpu.memref_slice %arg5[%dma_start3A_98, %dma_start3A_106] : memref<512x50xi32, #tpu.memory_space<vmem>> -> memref<1x50xi32, #tpu.memory_space<vmem>>
    %dma_start3A_108 = tpu.memref_squeeze %dma_start3A_107 : memref<1x50xi32, #tpu.memory_space<vmem>> -> memref<50xi32, #tpu.memory_space<vmem>>
    %dma_start3A_109 = arith.constant 0 : i32
    %dma_start3A_110 = arith.constant 0 : i32
    %dma_start3A_111 = tpu.memref_slice %arg3[%dma_start3A_109, %dma_start3A_110] : memref<100000x64xf32, #tpu.memory_space<hbm>> -> memref<100000x64xf32, #tpu.memory_space<hbm>>
    %dma_start3A_112 = tpu.memref_slice %arg7[%dma_start3A_101] : memref<8x!tpu.dma_semaphore, #tpu.memory_space<semaphore_mem>> -> memref<1x!tpu.dma_semaphore, #tpu.memory_space<semaphore_mem>>
    %dma_start3A_113 = tpu.memref_squeeze %dma_start3A_112 : memref<1x!tpu.dma_semaphore, #tpu.memory_space<semaphore_mem>> -> memref<!tpu.dma_semaphore, #tpu.memory_space<semaphore_mem>>
    tpu.enqueue_indirect_dma source(%dma_start3A_111 : memref<100000x64xf32, #tpu.memory_space<hbm>>) target(%dma_start3A_105 : memref<50x64xf32, #tpu.memory_space<vmem>>) offsets(%dma_start3A_108 : memref<50xi32, #tpu.memory_space<vmem>>) semaphore(%dma_start3A_113 : memref<!tpu.dma_semaphore, #tpu.memory_space<semaphore_mem>>)
    %dma_start3A_114 = arith.constant 7 : i32
    %dma_start3A_115 = arith.constant 3 : i32
    %dma_start3A_116 = arith.constant 1 : i32
    %dma_start3A_117 = arith.constant 3 : i32
    %dma_start3A_118 = arith.constant 0 : i32
    %dma_start3A_119 = arith.constant 0 : i32
    %dma_start3A_120 = tpu.memref_slice %arg6[%dma_start3A_115, %dma_start3A_116, %dma_start3A_118, %dma_start3A_119] : memref<8x2x50x64xf32, #tpu.memory_space<vmem>> -> memref<1x1x50x64xf32, #tpu.memory_space<vmem>>
    %dma_start3A_121 = tpu.memref_squeeze %dma_start3A_120 : memref<1x1x50x64xf32, #tpu.memory_space<vmem>> -> memref<50x64xf32, #tpu.memory_space<vmem>>
    %dma_start3A_122 = arith.constant 0 : i32
    %dma_start3A_123 = tpu.memref_slice %arg5[%dma_start3A_114, %dma_start3A_122] : memref<512x50xi32, #tpu.memory_space<vmem>> -> memref<1x50xi32, #tpu.memory_space<vmem>>
    %dma_start3A_124 = tpu.memref_squeeze %dma_start3A_123 : memref<1x50xi32, #tpu.memory_space<vmem>> -> memref<50xi32, #tpu.memory_space<vmem>>
    %dma_start3A_125 = arith.constant 0 : i32
    %dma_start3A_126 = arith.constant 0 : i32
    %dma_start3A_127 = tpu.memref_slice %arg3[%dma_start3A_125, %dma_start3A_126] : memref<100000x64xf32, #tpu.memory_space<hbm>> -> memref<100000x64xf32, #tpu.memory_space<hbm>>
    %dma_start3A_128 = tpu.memref_slice %arg7[%dma_start3A_117] : memref<8x!tpu.dma_semaphore, #tpu.memory_space<semaphore_mem>> -> memref<1x!tpu.dma_semaphore, #tpu.memory_space<semaphore_mem>>
    %dma_start3A_129 = tpu.memref_squeeze %dma_start3A_128 : memref<1x!tpu.dma_semaphore, #tpu.memory_space<semaphore_mem>> -> memref<!tpu.dma_semaphore, #tpu.memory_space<semaphore_mem>>
    tpu.enqueue_indirect_dma source(%dma_start3A_127 : memref<100000x64xf32, #tpu.memory_space<hbm>>) target(%dma_start3A_121 : memref<50x64xf32, #tpu.memory_space<vmem>>) offsets(%dma_start3A_124 : memref<50xi32, #tpu.memory_space<vmem>>) semaphore(%dma_start3A_129 : memref<!tpu.dma_semaphore, #tpu.memory_space<semaphore_mem>>)
    %dma_start3A_130 = arith.constant 8 : i32
    %dma_start3A_131 = arith.constant 4 : i32
    %dma_start3A_132 = arith.constant 0 : i32
    %dma_start3A_133 = arith.constant 4 : i32
    %dma_start3A_134 = arith.constant 0 : i32
    %dma_start3A_135 = arith.constant 0 : i32
    %dma_start3A_136 = tpu.memref_slice %arg6[%dma_start3A_131, %dma_start3A_132, %dma_start3A_134, %dma_start3A_135] : memref<8x2x50x64xf32, #tpu.memory_space<vmem>> -> memref<1x1x50x64xf32, #tpu.memory_space<vmem>>
    %dma_start3A_137 = tpu.memref_squeeze %dma_start3A_136 : memref<1x1x50x64xf32, #tpu.memory_space<vmem>> -> memref<50x64xf32, #tpu.memory_space<vmem>>
    %dma_start3A_138 = arith.constant 0 : i32
    %dma_start3A_139 = tpu.memref_slice %arg5[%dma_start3A_130, %dma_start3A_138] : memref<512x50xi32, #tpu.memory_space<vmem>> -> memref<1x50xi32, #tpu.memory_space<vmem>>
    %dma_start3A_140 = tpu.memref_squeeze %dma_start3A_139 : memref<1x50xi32, #tpu.memory_space<vmem>> -> memref<50xi32, #tpu.memory_space<vmem>>
    %dma_start3A_141 = arith.constant 0 : i32
    %dma_start3A_142 = arith.constant 0 : i32
    %dma_start3A_143 = tpu.memref_slice %arg3[%dma_start3A_141, %dma_start3A_142] : memref<100000x64xf32, #tpu.memory_space<hbm>> -> memref<100000x64xf32, #tpu.memory_space<hbm>>
    %dma_start3A_144 = tpu.memref_slice %arg7[%dma_start3A_133] : memref<8x!tpu.dma_semaphore, #tpu.memory_space<semaphore_mem>> -> memref<1x!tpu.dma_semaphore, #tpu.memory_space<semaphore_mem>>
    %dma_start3A_145 = tpu.memref_squeeze %dma_start3A_144 : memref<1x!tpu.dma_semaphore, #tpu.memory_space<semaphore_mem>> -> memref<!tpu.dma_semaphore, #tpu.memory_space<semaphore_mem>>
    tpu.enqueue_indirect_dma source(%dma_start3A_143 : memref<100000x64xf32, #tpu.memory_space<hbm>>) target(%dma_start3A_137 : memref<50x64xf32, #tpu.memory_space<vmem>>) offsets(%dma_start3A_140 : memref<50xi32, #tpu.memory_space<vmem>>) semaphore(%dma_start3A_145 : memref<!tpu.dma_semaphore, #tpu.memory_space<semaphore_mem>>)
    %dma_start3A_146 = arith.constant 9 : i32
    %dma_start3A_147 = arith.constant 4 : i32
    %dma_start3A_148 = arith.constant 1 : i32
    %dma_start3A_149 = arith.constant 4 : i32
    %dma_start3A_150 = arith.constant 0 : i32
    %dma_start3A_151 = arith.constant 0 : i32
    %dma_start3A_152 = tpu.memref_slice %arg6[%dma_start3A_147, %dma_start3A_148, %dma_start3A_150, %dma_start3A_151] : memref<8x2x50x64xf32, #tpu.memory_space<vmem>> -> memref<1x1x50x64xf32, #tpu.memory_space<vmem>>
    %dma_start3A_153 = tpu.memref_squeeze %dma_start3A_152 : memref<1x1x50x64xf32, #tpu.memory_space<vmem>> -> memref<50x64xf32, #tpu.memory_space<vmem>>
    %dma_start3A_154 = arith.constant 0 : i32
    %dma_start3A_155 = tpu.memref_slice %arg5[%dma_start3A_146, %dma_start3A_154] : memref<512x50xi32, #tpu.memory_space<vmem>> -> memref<1x50xi32, #tpu.memory_space<vmem>>
    %dma_start3A_156 = tpu.memref_squeeze %dma_start3A_155 : memref<1x50xi32, #tpu.memory_space<vmem>> -> memref<50xi32, #tpu.memory_space<vmem>>
    %dma_start3A_157 = arith.constant 0 : i32
    %dma_start3A_158 = arith.constant 0 : i32
    %dma_start3A_159 = tpu.memref_slice %arg3[%dma_start3A_157, %dma_start3A_158] : memref<100000x64xf32, #tpu.memory_space<hbm>> -> memref<100000x64xf32, #tpu.memory_space<hbm>>
    %dma_start3A_160 = tpu.memref_slice %arg7[%dma_start3A_149] : memref<8x!tpu.dma_semaphore, #tpu.memory_space<semaphore_mem>> -> memref<1x!tpu.dma_semaphore, #tpu.memory_space<semaphore_mem>>
    %dma_start3A_161 = tpu.memref_squeeze %dma_start3A_160 : memref<1x!tpu.dma_semaphore, #tpu.memory_space<semaphore_mem>> -> memref<!tpu.dma_semaphore, #tpu.memory_space<semaphore_mem>>
    tpu.enqueue_indirect_dma source(%dma_start3A_159 : memref<100000x64xf32, #tpu.memory_space<hbm>>) target(%dma_start3A_153 : memref<50x64xf32, #tpu.memory_space<vmem>>) offsets(%dma_start3A_156 : memref<50xi32, #tpu.memory_space<vmem>>) semaphore(%dma_start3A_161 : memref<!tpu.dma_semaphore, #tpu.memory_space<semaphore_mem>>)
    %scan3A = arith.constant 0 : i32
    %scan3A_162 = arith.constant 0 : i32
    %scan3A_163 = arith.constant 256 : i32
    %scan3A_164 = arith.addi %scan3A_162, %scan3A_163 : i32
    %scan3A_165 = arith.constant 1 : i32
    scf.for %scan3A_342 = %scan3A_162 to %scan3A_164 step %scan3A_165  : i32 {
      %rem3A = arith.constant 8 : i32
      %rem3A_343 = arith.remsi %scan3A_342, %rem3A : i32
      %mul3A_344 = arith.constant 2 : i32
      %mul3A_345 = arith.muli %scan3A_342, %mul3A_344 : i32
      %add3A_346 = arith.constant 0 : i32
      %add3A_347 = arith.addi %mul3A_345, %add3A_346 : i32
      %dma_wait3A_348 = arith.constant 0 : i32
      %dma_wait3A_349 = arith.constant 0 : i32
      %dma_wait3A_350 = arith.constant 0 : i32
      %dma_wait3A_351 = tpu.memref_slice %arg6[%rem3A_343, %dma_wait3A_348, %dma_wait3A_349, %dma_wait3A_350] : memref<8x2x50x64xf32, #tpu.memory_space<vmem>> -> memref<1x1x50x64xf32, #tpu.memory_space<vmem>>
      %dma_wait3A_352 = tpu.memref_squeeze %dma_wait3A_351 : memref<1x1x50x64xf32, #tpu.memory_space<vmem>> -> memref<50x64xf32, #tpu.memory_space<vmem>>
      %dma_wait3A_353 = arith.constant 0 : i32
      %dma_wait3A_354 = tpu.memref_slice %arg5[%add3A_347, %dma_wait3A_353] : memref<512x50xi32, #tpu.memory_space<vmem>> -> memref<1x50xi32, #tpu.memory_space<vmem>>
      %dma_wait3A_355 = tpu.memref_squeeze %dma_wait3A_354 : memref<1x50xi32, #tpu.memory_space<vmem>> -> memref<50xi32, #tpu.memory_space<vmem>>
      %dma_wait3A_356 = arith.constant 0 : i32
      %dma_wait3A_357 = arith.constant 0 : i32
      %dma_wait3A_358 = tpu.memref_slice %arg3[%dma_wait3A_356, %dma_wait3A_357] : memref<100000x64xf32, #tpu.memory_space<hbm>> -> memref<100000x64xf32, #tpu.memory_space<hbm>>
      %dma_wait3A_359 = tpu.memref_slice %arg7[%rem3A_343] : memref<8x!tpu.dma_semaphore, #tpu.memory_space<semaphore_mem>> -> memref<1x!tpu.dma_semaphore, #tpu.memory_space<semaphore_mem>>
      %dma_wait3A_360 = tpu.memref_squeeze %dma_wait3A_359 : memref<1x!tpu.dma_semaphore, #tpu.memory_space<semaphore_mem>> -> memref<!tpu.dma_semaphore, #tpu.memory_space<semaphore_mem>>
      tpu.wait_indirect_dma semaphore(%dma_wait3A_360 : memref<!tpu.dma_semaphore, #tpu.memory_space<semaphore_mem>>) src(%dma_wait3A_358 : memref<100000x64xf32, #tpu.memory_space<hbm>>) dst(%dma_wait3A_352 : memref<50x64xf32, #tpu.memory_space<vmem>>)
      %mul3A_361 = arith.constant 2 : i32
      %mul3A_362 = arith.muli %scan3A_342, %mul3A_361 : i32
      %add3A_363 = arith.constant 1 : i32
      %add3A_364 = arith.addi %mul3A_362, %add3A_363 : i32
      %dma_wait3A_365 = arith.constant 1 : i32
      %dma_wait3A_366 = arith.constant 0 : i32
      %dma_wait3A_367 = arith.constant 0 : i32
      %dma_wait3A_368 = tpu.memref_slice %arg6[%rem3A_343, %dma_wait3A_365, %dma_wait3A_366, %dma_wait3A_367] : memref<8x2x50x64xf32, #tpu.memory_space<vmem>> -> memref<1x1x50x64xf32, #tpu.memory_space<vmem>>
      %dma_wait3A_369 = tpu.memref_squeeze %dma_wait3A_368 : memref<1x1x50x64xf32, #tpu.memory_space<vmem>> -> memref<50x64xf32, #tpu.memory_space<vmem>>
      %dma_wait3A_370 = arith.constant 0 : i32
      %dma_wait3A_371 = tpu.memref_slice %arg5[%add3A_364, %dma_wait3A_370] : memref<512x50xi32, #tpu.memory_space<vmem>> -> memref<1x50xi32, #tpu.memory_space<vmem>>
      %dma_wait3A_372 = tpu.memref_squeeze %dma_wait3A_371 : memref<1x50xi32, #tpu.memory_space<vmem>> -> memref<50xi32, #tpu.memory_space<vmem>>
      %dma_wait3A_373 = arith.constant 0 : i32
      %dma_wait3A_374 = arith.constant 0 : i32
      %dma_wait3A_375 = tpu.memref_slice %arg3[%dma_wait3A_373, %dma_wait3A_374] : memref<100000x64xf32, #tpu.memory_space<hbm>> -> memref<100000x64xf32, #tpu.memory_space<hbm>>
      %dma_wait3A_376 = tpu.memref_slice %arg7[%rem3A_343] : memref<8x!tpu.dma_semaphore, #tpu.memory_space<semaphore_mem>> -> memref<1x!tpu.dma_semaphore, #tpu.memory_space<semaphore_mem>>
      %dma_wait3A_377 = tpu.memref_squeeze %dma_wait3A_376 : memref<1x!tpu.dma_semaphore, #tpu.memory_space<semaphore_mem>> -> memref<!tpu.dma_semaphore, #tpu.memory_space<semaphore_mem>>
      tpu.wait_indirect_dma semaphore(%dma_wait3A_377 : memref<!tpu.dma_semaphore, #tpu.memory_space<semaphore_mem>>) src(%dma_wait3A_375 : memref<100000x64xf32, #tpu.memory_space<hbm>>) dst(%dma_wait3A_369 : memref<50x64xf32, #tpu.memory_space<vmem>>)
      %mul3A_378 = arith.constant 2 : i32
      %mul3A_379 = arith.muli %scan3A_342, %mul3A_378 : i32
      %add3A_380 = arith.addi %mul3A_2, %mul3A_379 : i32
      %dma_start3A_381 = arith.constant 0 : i32
      %dma_start3A_382 = arith.constant 0 : i32
      %dma_start3A_383 = arith.constant 0 : i32
      %dma_start3A_384 = tpu.memref_slice %arg6[%rem3A_343, %dma_start3A_381, %dma_start3A_382, %dma_start3A_383] : memref<8x2x50x64xf32, #tpu.memory_space<vmem>> -> memref<1x2x50x64xf32, #tpu.memory_space<vmem>>
      %dma_start3A_385 = tpu.memref_squeeze %dma_start3A_384 : memref<1x2x50x64xf32, #tpu.memory_space<vmem>> -> memref<2x50x64xf32, #tpu.memory_space<vmem>>
      %dma_start3A_386 = arith.constant 0 : i32
      %dma_start3A_387 = arith.constant 0 : i32
      %dma_start3A_388 = tpu.memref_slice %arg4[%add3A_380, %dma_start3A_386, %dma_start3A_387] : memref<16384x56x128xf32, #tpu.memory_space<hbm>> -> memref<2x50x64xf32, #tpu.memory_space<hbm>>
      %dma_start3A_389 = tpu.memref_slice %arg8[%rem3A_343] : memref<8x!tpu.dma_semaphore, #tpu.memory_space<semaphore_mem>> -> memref<1x!tpu.dma_semaphore, #tpu.memory_space<semaphore_mem>>
      %dma_start3A_390 = tpu.memref_squeeze %dma_start3A_389 : memref<1x!tpu.dma_semaphore, #tpu.memory_space<semaphore_mem>> -> memref<!tpu.dma_semaphore, #tpu.memory_space<semaphore_mem>>
      %dma_start3A_391 = arith.constant 0 : i32
      %dma_start3A_392 = arith.constant 0 : i32
      %dma_start3A_393 = tpu.memref_slice %arg4[%add3A_380, %dma_start3A_391, %dma_start3A_392] : memref<16384x56x128xf32, #tpu.memory_space<hbm>> -> memref<2x50x64xf32, #tpu.memory_space<hbm>>
      %dma_start3A_394 = arith.constant 0 : i32
      %dma_start3A_395 = arith.constant 0 : i32
      %dma_start3A_396 = arith.constant 0 : i32
      %dma_start3A_397 = tpu.memref_slice %arg6[%rem3A_343, %dma_start3A_394, %dma_start3A_395, %dma_start3A_396] : memref<8x2x50x64xf32, #tpu.memory_space<vmem>> -> memref<1x2x50x64xf32, #tpu.memory_space<vmem>>
      %dma_start3A_398 = tpu.memref_squeeze %dma_start3A_397 : memref<1x2x50x64xf32, #tpu.memory_space<vmem>> -> memref<2x50x64xf32, #tpu.memory_space<vmem>>
      tpu.enqueue_dma source(%dma_start3A_398 : memref<2x50x64xf32, #tpu.memory_space<vmem>>) target(%dma_start3A_393 : memref<2x50x64xf32, #tpu.memory_space<hbm>>) target_semaphore(%dma_start3A_390 : memref<!tpu.dma_semaphore, #tpu.memory_space<semaphore_mem>>)
      %add3A_399 = arith.constant 5 : i32
      %add3A_400 = arith.addi %scan3A_342, %add3A_399 : i32
      %rem3A_401 = arith.constant 8 : i32
      %rem3A_402 = arith.remsi %add3A_400, %rem3A_401 : i32
      %lt3A = arith.constant 256 : i32
      %lt3A_403 = arith.cmpi slt, %add3A_400, %lt3A : i32
      %convert_element_type3A = arith.extui %lt3A_403 : i1 to i32
      %cond3A = arith.constant 0 : i32
      %cond3A_404 = arith.cmpi ne, %convert_element_type3A, %cond3A : i32
      scf.if %cond3A_404 {
        %ge3A = arith.constant 8 : i32
        %ge3A_405 = arith.cmpi sge, %add3A_400, %ge3A : i32
        %convert_element_type3A_406 = arith.extui %ge3A_405 : i1 to i32
        %cond3A_407 = arith.constant 0 : i32
        %cond3A_408 = arith.cmpi ne, %convert_element_type3A_406, %cond3A_407 : i32
        scf.if %cond3A_408 {
          %sub3A = arith.constant 8 : i32
          %sub3A_443 = arith.subi %add3A_400, %sub3A : i32
          %mul3A_444 = arith.constant 2 : i32
          %mul3A_445 = arith.muli %sub3A_443, %mul3A_444 : i32
          %add3A_446 = arith.addi %mul3A_2, %mul3A_445 : i32
          %dma_wait3A_447 = arith.constant 0 : i32
          %dma_wait3A_448 = arith.constant 0 : i32
          %dma_wait3A_449 = arith.constant 0 : i32
          %dma_wait3A_450 = tpu.memref_slice %arg6[%rem3A_402, %dma_wait3A_447, %dma_wait3A_448, %dma_wait3A_449] : memref<8x2x50x64xf32, #tpu.memory_space<vmem>> -> memref<1x2x50x64xf32, #tpu.memory_space<vmem>>
          %dma_wait3A_451 = tpu.memref_squeeze %dma_wait3A_450 : memref<1x2x50x64xf32, #tpu.memory_space<vmem>> -> memref<2x50x64xf32, #tpu.memory_space<vmem>>
          %dma_wait3A_452 = arith.constant 0 : i32
          %dma_wait3A_453 = arith.constant 0 : i32
          %dma_wait3A_454 = tpu.memref_slice %arg4[%add3A_446, %dma_wait3A_452, %dma_wait3A_453] : memref<16384x56x128xf32, #tpu.memory_space<hbm>> -> memref<2x50x64xf32, #tpu.memory_space<hbm>>
          %dma_wait3A_455 = tpu.memref_slice %arg8[%rem3A_402] : memref<8x!tpu.dma_semaphore, #tpu.memory_space<semaphore_mem>> -> memref<1x!tpu.dma_semaphore, #tpu.memory_space<semaphore_mem>>
          %dma_wait3A_456 = tpu.memref_squeeze %dma_wait3A_455 : memref<1x!tpu.dma_semaphore, #tpu.memory_space<semaphore_mem>> -> memref<!tpu.dma_semaphore, #tpu.memory_space<semaphore_mem>>
          %dma_wait3A_457 = arith.constant 0 : i32
          %dma_wait3A_458 = arith.constant 0 : i32
          %dma_wait3A_459 = tpu.memref_slice %arg4[%add3A_446, %dma_wait3A_457, %dma_wait3A_458] : memref<16384x56x128xf32, #tpu.memory_space<hbm>> -> memref<2x50x64xf32, #tpu.memory_space<hbm>>
          %dma_wait3A_460 = arith.constant 0 : i32
          %dma_wait3A_461 = arith.constant 0 : i32
          %dma_wait3A_462 = arith.constant 0 : i32
          %dma_wait3A_463 = tpu.memref_slice %arg6[%rem3A_402, %dma_wait3A_460, %dma_wait3A_461, %dma_wait3A_462] : memref<8x2x50x64xf32, #tpu.memory_space<vmem>> -> memref<1x2x50x64xf32, #tpu.memory_space<vmem>>
          %dma_wait3A_464 = tpu.memref_squeeze %dma_wait3A_463 : memref<1x2x50x64xf32, #tpu.memory_space<vmem>> -> memref<2x50x64xf32, #tpu.memory_space<vmem>>
          tpu.wait_dma2 semaphore(%dma_wait3A_456 : memref<!tpu.dma_semaphore, #tpu.memory_space<semaphore_mem>>) src(%dma_wait3A_464 : memref<2x50x64xf32, #tpu.memory_space<vmem>>) dst(%dma_wait3A_459 : memref<2x50x64xf32, #tpu.memory_space<hbm>>)
        } else {
        }
        %mul3A_409 = arith.constant 2 : i32
        %mul3A_410 = arith.muli %add3A_400, %mul3A_409 : i32
        %add3A_411 = arith.constant 0 : i32
        %add3A_412 = arith.addi %mul3A_410, %add3A_411 : i32
        %dma_start3A_413 = arith.constant 0 : i32
        %dma_start3A_414 = arith.constant 0 : i32
        %dma_start3A_415 = arith.constant 0 : i32
        %dma_start3A_416 = tpu.memref_slice %arg6[%rem3A_402, %dma_start3A_413, %dma_start3A_414, %dma_start3A_415] : memref<8x2x50x64xf32, #tpu.memory_space<vmem>> -> memref<1x1x50x64xf32, #tpu.memory_space<vmem>>
        %dma_start3A_417 = tpu.memref_squeeze %dma_start3A_416 : memref<1x1x50x64xf32, #tpu.memory_space<vmem>> -> memref<50x64xf32, #tpu.memory_space<vmem>>
        %dma_start3A_418 = arith.constant 0 : i32
        %dma_start3A_419 = tpu.memref_slice %arg5[%add3A_412, %dma_start3A_418] : memref<512x50xi32, #tpu.memory_space<vmem>> -> memref<1x50xi32, #tpu.memory_space<vmem>>
        %dma_start3A_420 = tpu.memref_squeeze %dma_start3A_419 : memref<1x50xi32, #tpu.memory_space<vmem>> -> memref<50xi32, #tpu.memory_space<vmem>>
        %dma_start3A_421 = arith.constant 0 : i32
        %dma_start3A_422 = arith.constant 0 : i32
        %dma_start3A_423 = tpu.memref_slice %arg3[%dma_start3A_421, %dma_start3A_422] : memref<100000x64xf32, #tpu.memory_space<hbm>> -> memref<100000x64xf32, #tpu.memory_space<hbm>>
        %dma_start3A_424 = tpu.memref_slice %arg7[%rem3A_402] : memref<8x!tpu.dma_semaphore, #tpu.memory_space<semaphore_mem>> -> memref<1x!tpu.dma_semaphore, #tpu.memory_space<semaphore_mem>>
        %dma_start3A_425 = tpu.memref_squeeze %dma_start3A_424 : memref<1x!tpu.dma_semaphore, #tpu.memory_space<semaphore_mem>> -> memref<!tpu.dma_semaphore, #tpu.memory_space<semaphore_mem>>
        tpu.enqueue_indirect_dma source(%dma_start3A_423 : memref<100000x64xf32, #tpu.memory_space<hbm>>) target(%dma_start3A_417 : memref<50x64xf32, #tpu.memory_space<vmem>>) offsets(%dma_start3A_420 : memref<50xi32, #tpu.memory_space<vmem>>) semaphore(%dma_start3A_425 : memref<!tpu.dma_semaphore, #tpu.memory_space<semaphore_mem>>)
        %mul3A_426 = arith.constant 2 : i32
        %mul3A_427 = arith.muli %add3A_400, %mul3A_426 : i32
        %add3A_428 = arith.constant 1 : i32
        %add3A_429 = arith.addi %mul3A_427, %add3A_428 : i32
        %dma_start3A_430 = arith.constant 1 : i32
        %dma_start3A_431 = arith.constant 0 : i32
        %dma_start3A_432 = arith.constant 0 : i32
        %dma_start3A_433 = tpu.memref_slice %arg6[%rem3A_402, %dma_start3A_430, %dma_start3A_431, %dma_start3A_432] : memref<8x2x50x64xf32, #tpu.memory_space<vmem>> -> memref<1x1x50x64xf32, #tpu.memory_space<vmem>>
        %dma_start3A_434 = tpu.memref_squeeze %dma_start3A_433 : memref<1x1x50x64xf32, #tpu.memory_space<vmem>> -> memref<50x64xf32, #tpu.memory_space<vmem>>
        %dma_start3A_435 = arith.constant 0 : i32
        %dma_start3A_436 = tpu.memref_slice %arg5[%add3A_429, %dma_start3A_435] : memref<512x50xi32, #tpu.memory_space<vmem>> -> memref<1x50xi32, #tpu.memory_space<vmem>>
        %dma_start3A_437 = tpu.memref_squeeze %dma_start3A_436 : memref<1x50xi32, #tpu.memory_space<vmem>> -> memref<50xi32, #tpu.memory_space<vmem>>
        %dma_start3A_438 = arith.constant 0 : i32
        %dma_start3A_439 = arith.constant 0 : i32
        %dma_start3A_440 = tpu.memref_slice %arg3[%dma_start3A_438, %dma_start3A_439] : memref<100000x64xf32, #tpu.memory_space<hbm>> -> memref<100000x64xf32, #tpu.memory_space<hbm>>
        %dma_start3A_441 = tpu.memref_slice %arg7[%rem3A_402] : memref<8x!tpu.dma_semaphore, #tpu.memory_space<semaphore_mem>> -> memref<1x!tpu.dma_semaphore, #tpu.memory_space<semaphore_mem>>
        %dma_start3A_442 = tpu.memref_squeeze %dma_start3A_441 : memref<1x!tpu.dma_semaphore, #tpu.memory_space<semaphore_mem>> -> memref<!tpu.dma_semaphore, #tpu.memory_space<semaphore_mem>>
        tpu.enqueue_indirect_dma source(%dma_start3A_440 : memref<100000x64xf32, #tpu.memory_space<hbm>>) target(%dma_start3A_434 : memref<50x64xf32, #tpu.memory_space<vmem>>) offsets(%dma_start3A_437 : memref<50xi32, #tpu.memory_space<vmem>>) semaphore(%dma_start3A_442 : memref<!tpu.dma_semaphore, #tpu.memory_space<semaphore_mem>>)
      } else {
      }
    }
    %scan3A_166 = arith.constant 256 : i32
    %add3A_167 = arith.constant 496 : i32
    %add3A_168 = arith.addi %mul3A_2, %add3A_167 : i32
    %dma_wait3A = arith.constant 0 : i32
    %dma_wait3A_169 = arith.constant 0 : i32
    %dma_wait3A_170 = arith.constant 0 : i32
    %dma_wait3A_171 = arith.constant 0 : i32
    %dma_wait3A_172 = arith.constant 0 : i32
    %dma_wait3A_173 = tpu.memref_slice %arg6[%dma_wait3A, %dma_wait3A_170, %dma_wait3A_171, %dma_wait3A_172] : memref<8x2x50x64xf32, #tpu.memory_space<vmem>> -> memref<1x2x50x64xf32, #tpu.memory_space<vmem>>
    %dma_wait3A_174 = tpu.memref_squeeze %dma_wait3A_173 : memref<1x2x50x64xf32, #tpu.memory_space<vmem>> -> memref<2x50x64xf32, #tpu.memory_space<vmem>>
    %dma_wait3A_175 = arith.constant 0 : i32
    %dma_wait3A_176 = arith.constant 0 : i32
    %dma_wait3A_177 = tpu.memref_slice %arg4[%add3A_168, %dma_wait3A_175, %dma_wait3A_176] : memref<16384x56x128xf32, #tpu.memory_space<hbm>> -> memref<2x50x64xf32, #tpu.memory_space<hbm>>
    %dma_wait3A_178 = tpu.memref_slice %arg8[%dma_wait3A_169] : memref<8x!tpu.dma_semaphore, #tpu.memory_space<semaphore_mem>> -> memref<1x!tpu.dma_semaphore, #tpu.memory_space<semaphore_mem>>
    %dma_wait3A_179 = tpu.memref_squeeze %dma_wait3A_178 : memref<1x!tpu.dma_semaphore, #tpu.memory_space<semaphore_mem>> -> memref<!tpu.dma_semaphore, #tpu.memory_space<semaphore_mem>>
    %dma_wait3A_180 = arith.constant 0 : i32
    %dma_wait3A_181 = arith.constant 0 : i32
    %dma_wait3A_182 = tpu.memref_slice %arg4[%add3A_168, %dma_wait3A_180, %dma_wait3A_181] : memref<16384x56x128xf32, #tpu.memory_space<hbm>> -> memref<2x50x64xf32, #tpu.memory_space<hbm>>
    %dma_wait3A_183 = arith.constant 0 : i32
    %dma_wait3A_184 = arith.constant 0 : i32
    %dma_wait3A_185 = arith.constant 0 : i32
    %dma_wait3A_186 = tpu.memref_slice %arg6[%dma_wait3A, %dma_wait3A_183, %dma_wait3A_184, %dma_wait3A_185] : memref<8x2x50x64xf32, #tpu.memory_space<vmem>> -> memref<1x2x50x64xf32, #tpu.memory_space<vmem>>
    %dma_wait3A_187 = tpu.memref_squeeze %dma_wait3A_186 : memref<1x2x50x64xf32, #tpu.memory_space<vmem>> -> memref<2x50x64xf32, #tpu.memory_space<vmem>>
    tpu.wait_dma2 semaphore(%dma_wait3A_179 : memref<!tpu.dma_semaphore, #tpu.memory_space<semaphore_mem>>) src(%dma_wait3A_187 : memref<2x50x64xf32, #tpu.memory_space<vmem>>) dst(%dma_wait3A_182 : memref<2x50x64xf32, #tpu.memory_space<hbm>>)
    %add3A_188 = arith.constant 498 : i32
    %add3A_189 = arith.addi %mul3A_2, %add3A_188 : i32
    %dma_wait3A_190 = arith.constant 1 : i32
    %dma_wait3A_191 = arith.constant 1 : i32
    %dma_wait3A_192 = arith.constant 0 : i32
    %dma_wait3A_193 = arith.constant 0 : i32
    %dma_wait3A_194 = arith.constant 0 : i32
    %dma_wait3A_195 = tpu.memref_slice %arg6[%dma_wait3A_190, %dma_wait3A_192, %dma_wait3A_193, %dma_wait3A_194] : memref<8x2x50x64xf32, #tpu.memory_space<vmem>> -> memref<1x2x50x64xf32, #tpu.memory_space<vmem>>
    %dma_wait3A_196 = tpu.memref_squeeze %dma_wait3A_195 : memref<1x2x50x64xf32, #tpu.memory_space<vmem>> -> memref<2x50x64xf32, #tpu.memory_space<vmem>>
    %dma_wait3A_197 = arith.constant 0 : i32
    %dma_wait3A_198 = arith.constant 0 : i32
    %dma_wait3A_199 = tpu.memref_slice %arg4[%add3A_189, %dma_wait3A_197, %dma_wait3A_198] : memref<16384x56x128xf32, #tpu.memory_space<hbm>> -> memref<2x50x64xf32, #tpu.memory_space<hbm>>
    %dma_wait3A_200 = tpu.memref_slice %arg8[%dma_wait3A_191] : memref<8x!tpu.dma_semaphore, #tpu.memory_space<semaphore_mem>> -> memref<1x!tpu.dma_semaphore, #tpu.memory_space<semaphore_mem>>
    %dma_wait3A_201 = tpu.memref_squeeze %dma_wait3A_200 : memref<1x!tpu.dma_semaphore, #tpu.memory_space<semaphore_mem>> -> memref<!tpu.dma_semaphore, #tpu.memory_space<semaphore_mem>>
    %dma_wait3A_202 = arith.constant 0 : i32
    %dma_wait3A_203 = arith.constant 0 : i32
    %dma_wait3A_204 = tpu.memref_slice %arg4[%add3A_189, %dma_wait3A_202, %dma_wait3A_203] : memref<16384x56x128xf32, #tpu.memory_space<hbm>> -> memref<2x50x64xf32, #tpu.memory_space<hbm>>
    %dma_wait3A_205 = arith.constant 0 : i32
    %dma_wait3A_206 = arith.constant 0 : i32
    %dma_wait3A_207 = arith.constant 0 : i32
    %dma_wait3A_208 = tpu.memref_slice %arg6[%dma_wait3A_190, %dma_wait3A_205, %dma_wait3A_206, %dma_wait3A_207] : memref<8x2x50x64xf32, #tpu.memory_space<vmem>> -> memref<1x2x50x64xf32, #tpu.memory_space<vmem>>
    %dma_wait3A_209 = tpu.memref_squeeze %dma_wait3A_208 : memref<1x2x50x64xf32, #tpu.memory_space<vmem>> -> memref<2x50x64xf32, #tpu.memory_space<vmem>>
    tpu.wait_dma2 semaphore(%dma_wait3A_201 : memref<!tpu.dma_semaphore, #tpu.memory_space<semaphore_mem>>) src(%dma_wait3A_209 : memref<2x50x64xf32, #tpu.memory_space<vmem>>) dst(%dma_wait3A_204 : memref<2x50x64xf32, #tpu.memory_space<hbm>>)
    %add3A_210 = arith.constant 500 : i32
    %add3A_211 = arith.addi %mul3A_2, %add3A_210 : i32
    %dma_wait3A_212 = arith.constant 2 : i32
    %dma_wait3A_213 = arith.constant 2 : i32
    %dma_wait3A_214 = arith.constant 0 : i32
    %dma_wait3A_215 = arith.constant 0 : i32
    %dma_wait3A_216 = arith.constant 0 : i32
    %dma_wait3A_217 = tpu.memref_slice %arg6[%dma_wait3A_212, %dma_wait3A_214, %dma_wait3A_215, %dma_wait3A_216] : memref<8x2x50x64xf32, #tpu.memory_space<vmem>> -> memref<1x2x50x64xf32, #tpu.memory_space<vmem>>
    %dma_wait3A_218 = tpu.memref_squeeze %dma_wait3A_217 : memref<1x2x50x64xf32, #tpu.memory_space<vmem>> -> memref<2x50x64xf32, #tpu.memory_space<vmem>>
    %dma_wait3A_219 = arith.constant 0 : i32
    %dma_wait3A_220 = arith.constant 0 : i32
    %dma_wait3A_221 = tpu.memref_slice %arg4[%add3A_211, %dma_wait3A_219, %dma_wait3A_220] : memref<16384x56x128xf32, #tpu.memory_space<hbm>> -> memref<2x50x64xf32, #tpu.memory_space<hbm>>
    %dma_wait3A_222 = tpu.memref_slice %arg8[%dma_wait3A_213] : memref<8x!tpu.dma_semaphore, #tpu.memory_space<semaphore_mem>> -> memref<1x!tpu.dma_semaphore, #tpu.memory_space<semaphore_mem>>
    %dma_wait3A_223 = tpu.memref_squeeze %dma_wait3A_222 : memref<1x!tpu.dma_semaphore, #tpu.memory_space<semaphore_mem>> -> memref<!tpu.dma_semaphore, #tpu.memory_space<semaphore_mem>>
    %dma_wait3A_224 = arith.constant 0 : i32
    %dma_wait3A_225 = arith.constant 0 : i32
    %dma_wait3A_226 = tpu.memref_slice %arg4[%add3A_211, %dma_wait3A_224, %dma_wait3A_225] : memref<16384x56x128xf32, #tpu.memory_space<hbm>> -> memref<2x50x64xf32, #tpu.memory_space<hbm>>
    %dma_wait3A_227 = arith.constant 0 : i32
    %dma_wait3A_228 = arith.constant 0 : i32
    %dma_wait3A_229 = arith.constant 0 : i32
    %dma_wait3A_230 = tpu.memref_slice %arg6[%dma_wait3A_212, %dma_wait3A_227, %dma_wait3A_228, %dma_wait3A_229] : memref<8x2x50x64xf32, #tpu.memory_space<vmem>> -> memref<1x2x50x64xf32, #tpu.memory_space<vmem>>
    %dma_wait3A_231 = tpu.memref_squeeze %dma_wait3A_230 : memref<1x2x50x64xf32, #tpu.memory_space<vmem>> -> memref<2x50x64xf32, #tpu.memory_space<vmem>>
    tpu.wait_dma2 semaphore(%dma_wait3A_223 : memref<!tpu.dma_semaphore, #tpu.memory_space<semaphore_mem>>) src(%dma_wait3A_231 : memref<2x50x64xf32, #tpu.memory_space<vmem>>) dst(%dma_wait3A_226 : memref<2x50x64xf32, #tpu.memory_space<hbm>>)
    %add3A_232 = arith.constant 502 : i32
    %add3A_233 = arith.addi %mul3A_2, %add3A_232 : i32
    %dma_wait3A_234 = arith.constant 3 : i32
    %dma_wait3A_235 = arith.constant 3 : i32
    %dma_wait3A_236 = arith.constant 0 : i32
    %dma_wait3A_237 = arith.constant 0 : i32
    %dma_wait3A_238 = arith.constant 0 : i32
    %dma_wait3A_239 = tpu.memref_slice %arg6[%dma_wait3A_234, %dma_wait3A_236, %dma_wait3A_237, %dma_wait3A_238] : memref<8x2x50x64xf32, #tpu.memory_space<vmem>> -> memref<1x2x50x64xf32, #tpu.memory_space<vmem>>
    %dma_wait3A_240 = tpu.memref_squeeze %dma_wait3A_239 : memref<1x2x50x64xf32, #tpu.memory_space<vmem>> -> memref<2x50x64xf32, #tpu.memory_space<vmem>>
    %dma_wait3A_241 = arith.constant 0 : i32
    %dma_wait3A_242 = arith.constant 0 : i32
    %dma_wait3A_243 = tpu.memref_slice %arg4[%add3A_233, %dma_wait3A_241, %dma_wait3A_242] : memref<16384x56x128xf32, #tpu.memory_space<hbm>> -> memref<2x50x64xf32, #tpu.memory_space<hbm>>
    %dma_wait3A_244 = tpu.memref_slice %arg8[%dma_wait3A_235] : memref<8x!tpu.dma_semaphore, #tpu.memory_space<semaphore_mem>> -> memref<1x!tpu.dma_semaphore, #tpu.memory_space<semaphore_mem>>
    %dma_wait3A_245 = tpu.memref_squeeze %dma_wait3A_244 : memref<1x!tpu.dma_semaphore, #tpu.memory_space<semaphore_mem>> -> memref<!tpu.dma_semaphore, #tpu.memory_space<semaphore_mem>>
    %dma_wait3A_246 = arith.constant 0 : i32
    %dma_wait3A_247 = arith.constant 0 : i32
    %dma_wait3A_248 = tpu.memref_slice %arg4[%add3A_233, %dma_wait3A_246, %dma_wait3A_247] : memref<16384x56x128xf32, #tpu.memory_space<hbm>> -> memref<2x50x64xf32, #tpu.memory_space<hbm>>
    %dma_wait3A_249 = arith.constant 0 : i32
    %dma_wait3A_250 = arith.constant 0 : i32
    %dma_wait3A_251 = arith.constant 0 : i32
    %dma_wait3A_252 = tpu.memref_slice %arg6[%dma_wait3A_234, %dma_wait3A_249, %dma_wait3A_250, %dma_wait3A_251] : memref<8x2x50x64xf32, #tpu.memory_space<vmem>> -> memref<1x2x50x64xf32, #tpu.memory_space<vmem>>
    %dma_wait3A_253 = tpu.memref_squeeze %dma_wait3A_252 : memref<1x2x50x64xf32, #tpu.memory_space<vmem>> -> memref<2x50x64xf32, #tpu.memory_space<vmem>>
    tpu.wait_dma2 semaphore(%dma_wait3A_245 : memref<!tpu.dma_semaphore, #tpu.memory_space<semaphore_mem>>) src(%dma_wait3A_253 : memref<2x50x64xf32, #tpu.memory_space<vmem>>) dst(%dma_wait3A_248 : memref<2x50x64xf32, #tpu.memory_space<hbm>>)
    %add3A_254 = arith.constant 504 : i32
    %add3A_255 = arith.addi %mul3A_2, %add3A_254 : i32
    %dma_wait3A_256 = arith.constant 4 : i32
    %dma_wait3A_257 = arith.constant 4 : i32
    %dma_wait3A_258 = arith.constant 0 : i32
    %dma_wait3A_259 = arith.constant 0 : i32
    %dma_wait3A_260 = arith.constant 0 : i32
    %dma_wait3A_261 = tpu.memref_slice %arg6[%dma_wait3A_256, %dma_wait3A_258, %dma_wait3A_259, %dma_wait3A_260] : memref<8x2x50x64xf32, #tpu.memory_space<vmem>> -> memref<1x2x50x64xf32, #tpu.memory_space<vmem>>
    %dma_wait3A_262 = tpu.memref_squeeze %dma_wait3A_261 : memref<1x2x50x64xf32, #tpu.memory_space<vmem>> -> memref<2x50x64xf32, #tpu.memory_space<vmem>>
    %dma_wait3A_263 = arith.constant 0 : i32
    %dma_wait3A_264 = arith.constant 0 : i32
    %dma_wait3A_265 = tpu.memref_slice %arg4[%add3A_255, %dma_wait3A_263, %dma_wait3A_264] : memref<16384x56x128xf32, #tpu.memory_space<hbm>> -> memref<2x50x64xf32, #tpu.memory_space<hbm>>
    %dma_wait3A_266 = tpu.memref_slice %arg8[%dma_wait3A_257] : memref<8x!tpu.dma_semaphore, #tpu.memory_space<semaphore_mem>> -> memref<1x!tpu.dma_semaphore, #tpu.memory_space<semaphore_mem>>
    %dma_wait3A_267 = tpu.memref_squeeze %dma_wait3A_266 : memref<1x!tpu.dma_semaphore, #tpu.memory_space<semaphore_mem>> -> memref<!tpu.dma_semaphore, #tpu.memory_space<semaphore_mem>>
    %dma_wait3A_268 = arith.constant 0 : i32
    %dma_wait3A_269 = arith.constant 0 : i32
    %dma_wait3A_270 = tpu.memref_slice %arg4[%add3A_255, %dma_wait3A_268, %dma_wait3A_269] : memref<16384x56x128xf32, #tpu.memory_space<hbm>> -> memref<2x50x64xf32, #tpu.memory_space<hbm>>
    %dma_wait3A_271 = arith.constant 0 : i32
    %dma_wait3A_272 = arith.constant 0 : i32
    %dma_wait3A_273 = arith.constant 0 : i32
    %dma_wait3A_274 = tpu.memref_slice %arg6[%dma_wait3A_256, %dma_wait3A_271, %dma_wait3A_272, %dma_wait3A_273] : memref<8x2x50x64xf32, #tpu.memory_space<vmem>> -> memref<1x2x50x64xf32, #tpu.memory_space<vmem>>
    %dma_wait3A_275 = tpu.memref_squeeze %dma_wait3A_274 : memref<1x2x50x64xf32, #tpu.memory_space<vmem>> -> memref<2x50x64xf32, #tpu.memory_space<vmem>>
    tpu.wait_dma2 semaphore(%dma_wait3A_267 : memref<!tpu.dma_semaphore, #tpu.memory_space<semaphore_mem>>) src(%dma_wait3A_275 : memref<2x50x64xf32, #tpu.memory_space<vmem>>) dst(%dma_wait3A_270 : memref<2x50x64xf32, #tpu.memory_space<hbm>>)
    %add3A_276 = arith.constant 506 : i32
    %add3A_277 = arith.addi %mul3A_2, %add3A_276 : i32
    %dma_wait3A_278 = arith.constant 5 : i32
    %dma_wait3A_279 = arith.constant 5 : i32
    %dma_wait3A_280 = arith.constant 0 : i32
    %dma_wait3A_281 = arith.constant 0 : i32
    %dma_wait3A_282 = arith.constant 0 : i32
    %dma_wait3A_283 = tpu.memref_slice %arg6[%dma_wait3A_278, %dma_wait3A_280, %dma_wait3A_281, %dma_wait3A_282] : memref<8x2x50x64xf32, #tpu.memory_space<vmem>> -> memref<1x2x50x64xf32, #tpu.memory_space<vmem>>
    %dma_wait3A_284 = tpu.memref_squeeze %dma_wait3A_283 : memref<1x2x50x64xf32, #tpu.memory_space<vmem>> -> memref<2x50x64xf32, #tpu.memory_space<vmem>>
    %dma_wait3A_285 = arith.constant 0 : i32
    %dma_wait3A_286 = arith.constant 0 : i32
    %dma_wait3A_287 = tpu.memref_slice %arg4[%add3A_277, %dma_wait3A_285, %dma_wait3A_286] : memref<16384x56x128xf32, #tpu.memory_space<hbm>> -> memref<2x50x64xf32, #tpu.memory_space<hbm>>
    %dma_wait3A_288 = tpu.memref_slice %arg8[%dma_wait3A_279] : memref<8x!tpu.dma_semaphore, #tpu.memory_space<semaphore_mem>> -> memref<1x!tpu.dma_semaphore, #tpu.memory_space<semaphore_mem>>
    %dma_wait3A_289 = tpu.memref_squeeze %dma_wait3A_288 : memref<1x!tpu.dma_semaphore, #tpu.memory_space<semaphore_mem>> -> memref<!tpu.dma_semaphore, #tpu.memory_space<semaphore_mem>>
    %dma_wait3A_290 = arith.constant 0 : i32
    %dma_wait3A_291 = arith.constant 0 : i32
    %dma_wait3A_292 = tpu.memref_slice %arg4[%add3A_277, %dma_wait3A_290, %dma_wait3A_291] : memref<16384x56x128xf32, #tpu.memory_space<hbm>> -> memref<2x50x64xf32, #tpu.memory_space<hbm>>
    %dma_wait3A_293 = arith.constant 0 : i32
    %dma_wait3A_294 = arith.constant 0 : i32
    %dma_wait3A_295 = arith.constant 0 : i32
    %dma_wait3A_296 = tpu.memref_slice %arg6[%dma_wait3A_278, %dma_wait3A_293, %dma_wait3A_294, %dma_wait3A_295] : memref<8x2x50x64xf32, #tpu.memory_space<vmem>> -> memref<1x2x50x64xf32, #tpu.memory_space<vmem>>
    %dma_wait3A_297 = tpu.memref_squeeze %dma_wait3A_296 : memref<1x2x50x64xf32, #tpu.memory_space<vmem>> -> memref<2x50x64xf32, #tpu.memory_space<vmem>>
    tpu.wait_dma2 semaphore(%dma_wait3A_289 : memref<!tpu.dma_semaphore, #tpu.memory_space<semaphore_mem>>) src(%dma_wait3A_297 : memref<2x50x64xf32, #tpu.memory_space<vmem>>) dst(%dma_wait3A_292 : memref<2x50x64xf32, #tpu.memory_space<hbm>>)
    %add3A_298 = arith.constant 508 : i32
    %add3A_299 = arith.addi %mul3A_2, %add3A_298 : i32
    %dma_wait3A_300 = arith.constant 6 : i32
    %dma_wait3A_301 = arith.constant 6 : i32
    %dma_wait3A_302 = arith.constant 0 : i32
    %dma_wait3A_303 = arith.constant 0 : i32
    %dma_wait3A_304 = arith.constant 0 : i32
    %dma_wait3A_305 = tpu.memref_slice %arg6[%dma_wait3A_300, %dma_wait3A_302, %dma_wait3A_303, %dma_wait3A_304] : memref<8x2x50x64xf32, #tpu.memory_space<vmem>> -> memref<1x2x50x64xf32, #tpu.memory_space<vmem>>
    %dma_wait3A_306 = tpu.memref_squeeze %dma_wait3A_305 : memref<1x2x50x64xf32, #tpu.memory_space<vmem>> -> memref<2x50x64xf32, #tpu.memory_space<vmem>>
    %dma_wait3A_307 = arith.constant 0 : i32
    %dma_wait3A_308 = arith.constant 0 : i32
    %dma_wait3A_309 = tpu.memref_slice %arg4[%add3A_299, %dma_wait3A_307, %dma_wait3A_308] : memref<16384x56x128xf32, #tpu.memory_space<hbm>> -> memref<2x50x64xf32, #tpu.memory_space<hbm>>
    %dma_wait3A_310 = tpu.memref_slice %arg8[%dma_wait3A_301] : memref<8x!tpu.dma_semaphore, #tpu.memory_space<semaphore_mem>> -> memref<1x!tpu.dma_semaphore, #tpu.memory_space<semaphore_mem>>
    %dma_wait3A_311 = tpu.memref_squeeze %dma_wait3A_310 : memref<1x!tpu.dma_semaphore, #tpu.memory_space<semaphore_mem>> -> memref<!tpu.dma_semaphore, #tpu.memory_space<semaphore_mem>>
    %dma_wait3A_312 = arith.constant 0 : i32
    %dma_wait3A_313 = arith.constant 0 : i32
    %dma_wait3A_314 = tpu.memref_slice %arg4[%add3A_299, %dma_wait3A_312, %dma_wait3A_313] : memref<16384x56x128xf32, #tpu.memory_space<hbm>> -> memref<2x50x64xf32, #tpu.memory_space<hbm>>
    %dma_wait3A_315 = arith.constant 0 : i32
    %dma_wait3A_316 = arith.constant 0 : i32
    %dma_wait3A_317 = arith.constant 0 : i32
    %dma_wait3A_318 = tpu.memref_slice %arg6[%dma_wait3A_300, %dma_wait3A_315, %dma_wait3A_316, %dma_wait3A_317] : memref<8x2x50x64xf32, #tpu.memory_space<vmem>> -> memref<1x2x50x64xf32, #tpu.memory_space<vmem>>
    %dma_wait3A_319 = tpu.memref_squeeze %dma_wait3A_318 : memref<1x2x50x64xf32, #tpu.memory_space<vmem>> -> memref<2x50x64xf32, #tpu.memory_space<vmem>>
    tpu.wait_dma2 semaphore(%dma_wait3A_311 : memref<!tpu.dma_semaphore, #tpu.memory_space<semaphore_mem>>) src(%dma_wait3A_319 : memref<2x50x64xf32, #tpu.memory_space<vmem>>) dst(%dma_wait3A_314 : memref<2x50x64xf32, #tpu.memory_space<hbm>>)
    %add3A_320 = arith.constant 510 : i32
    %add3A_321 = arith.addi %mul3A_2, %add3A_320 : i32
    %dma_wait3A_322 = arith.constant 7 : i32
    %dma_wait3A_323 = arith.constant 7 : i32
    %dma_wait3A_324 = arith.constant 0 : i32
    %dma_wait3A_325 = arith.constant 0 : i32
    %dma_wait3A_326 = arith.constant 0 : i32
    %dma_wait3A_327 = tpu.memref_slice %arg6[%dma_wait3A_322, %dma_wait3A_324, %dma_wait3A_325, %dma_wait3A_326] : memref<8x2x50x64xf32, #tpu.memory_space<vmem>> -> memref<1x2x50x64xf32, #tpu.memory_space<vmem>>
    %dma_wait3A_328 = tpu.memref_squeeze %dma_wait3A_327 : memref<1x2x50x64xf32, #tpu.memory_space<vmem>> -> memref<2x50x64xf32, #tpu.memory_space<vmem>>
    %dma_wait3A_329 = arith.constant 0 : i32
    %dma_wait3A_330 = arith.constant 0 : i32
    %dma_wait3A_331 = tpu.memref_slice %arg4[%add3A_321, %dma_wait3A_329, %dma_wait3A_330] : memref<16384x56x128xf32, #tpu.memory_space<hbm>> -> memref<2x50x64xf32, #tpu.memory_space<hbm>>
    %dma_wait3A_332 = tpu.memref_slice %arg8[%dma_wait3A_323] : memref<8x!tpu.dma_semaphore, #tpu.memory_space<semaphore_mem>> -> memref<1x!tpu.dma_semaphore, #tpu.memory_space<semaphore_mem>>
    %dma_wait3A_333 = tpu.memref_squeeze %dma_wait3A_332 : memref<1x!tpu.dma_semaphore, #tpu.memory_space<semaphore_mem>> -> memref<!tpu.dma_semaphore, #tpu.memory_space<semaphore_mem>>
    %dma_wait3A_334 = arith.constant 0 : i32
    %dma_wait3A_335 = arith.constant 0 : i32
    %dma_wait3A_336 = tpu.memref_slice %arg4[%add3A_321, %dma_wait3A_334, %dma_wait3A_335] : memref<16384x56x128xf32, #tpu.memory_space<hbm>> -> memref<2x50x64xf32, #tpu.memory_space<hbm>>
    %dma_wait3A_337 = arith.constant 0 : i32
    %dma_wait3A_338 = arith.constant 0 : i32
    %dma_wait3A_339 = arith.constant 0 : i32
    %dma_wait3A_340 = tpu.memref_slice %arg6[%dma_wait3A_322, %dma_wait3A_337, %dma_wait3A_338, %dma_wait3A_339] : memref<8x2x50x64xf32, #tpu.memory_space<vmem>> -> memref<1x2x50x64xf32, #tpu.memory_space<vmem>>
    %dma_wait3A_341 = tpu.memref_squeeze %dma_wait3A_340 : memref<1x2x50x64xf32, #tpu.memory_space<vmem>> -> memref<2x50x64xf32, #tpu.memory_space<vmem>>
    tpu.wait_dma2 semaphore(%dma_wait3A_333 : memref<!tpu.dma_semaphore, #tpu.memory_space<semaphore_mem>>) src(%dma_wait3A_341 : memref<2x50x64xf32, #tpu.memory_space<vmem>>) dst(%dma_wait3A_336 : memref<2x50x64xf32, #tpu.memory_space<hbm>>)
    return
  }
}

</mosaic_0001>

<sc_bundles>
// kernel: kernel.3.cloned.1.call-start
scs
__scs_entry_jumppad:
0x0: {  	(pc) =	sbr.rel $0x88, $3  }
0x1: {  	(tag) =	ssettag $0x0;
	lr =	simm.s32 $0x1  }
0x2: {  	[smem:$0x3F9F] =	sst lr;
	_ =	strace $0xD0000000  }
0x3: {  	_ = 	snop  }
0x4: {  	_ = 	snop  }
0x5: {  	_ = 	snop  }
0x6: {  	_ = 	snop  }
0x7: {  	_ = 	snop  }
__scs_overlays_trampoline_lowered:
0x8: {  	[smem:$0x3FAE] =	sst s0  }
0x9: {  	[smem:$0x3FAF] =	sst s1  }
0xa: {  	[smem:$0x3FB0] =	sst s2  }
0xb: {  	[smem:$0x3FB1] =	sst s3  }
0xc: {  	[smem:$0x3FB2] =	sst s4  }
0xd: {  	[smem:$0x3FB3] =	sst s5  }
0xe: {  	[smem:$0x3FB4] =	sst s6  }
0xf: {  	[smem:$0x3FB5] =	sst s7  }
0x10: {  	[smem:$0x3FB6] =	sst s8  }
0x11: {  	[smem:$0x3FB7] =	sst s9;
	s0 =	simm.s32 @!p0 $0x0  }
0x12: {  	s1 =	sld [smem:$0x3F9D];
	s0 =	simm.s32 @p0 $0x1  }
0x13: {  	[smem:$0x3FB8] =	sst s0;
	s0 =	simm.s32 @!p1 $0x0  }
0x14: {  	s2 =	sld [smem:$0x3F9C];
	s0 =	simm.s32 @p1 $0x1  }
0x15: {  	[smem:$0x3FB9] =	sst s0;
	s0 =	simm.s32 @!p2 $0x0  }
0x16: {  	s3 =	sld [smem:$0x3FDB];
	s0 =	simm.s32 @p2 $0x1  }
0x17: {  	s4 =	simm.s32 $0x1BF5;
	[smem:$0x3FBB] =	sst s0  }
0x18: {  	s0 =	sld [smem:$0x3F9E];
	_ =	swait.ge [sflag:s4], $0x0  }
0x19: {  	s7 =	sld [smem:$0x3F9F]  }
0x1a: {  	s8 =	sadd.s32 $0xFFFFE003, lr  }
0x1b: {  	s9 =	sadd.s32 $0xFFFFFEF7, lr;
	s5 =	simm.s32 $0xFFFFFFFF;
	p2 =	slt.u32 s8, $0xFFFFF086  }
0x1c: {  	p1 =	slt.u32 s9, $0xF7A;
	s5 =	simm.s32 @!p2 $0x0  }
0x1d: {  	s5 =	simm.s32 @p1 $0x1;
	p0 =	seq.s32 s7, s2  }
0x1e: {  	s7 =	smul.u32 @!p0 $0xF7A, s2;
	p2 =	seq.s32 @!p0 s5, $0x0  }
0x1f: {  	s9 =	smul.u32 $0xF7A, s1;
	s8 =	simm.s32 @!p0 $0x1BF5;
	p2 =	por !p2, p0  }
0x20: {  	[sflag:s8] =	ssyncset.s32 @!p0 $0xFFFFF086;
	s6 =	sadd.s32 @!p0 s3, s7;
	s7 =	simm.s32 @!p0 $0x108  }
0x21: {  	s3 =	sadd.s32 s3, s9;
	s6 =	sadd.s32 @!p0 $0x88, s6;
	s7 =	simm.s32 @p2 $0x1082  }
0x22: {  	[simem:s7], [sflag:s8] =	dma.local @!p0 [hbm:s6], $0xF7A  }
0x23: {  	s9 =	sor.u32 $0xD0000000, s2;
	s6 =	simm.s32 $0x108;
	_ =	swait.ge @!p0 [sflag:s8], $0x0  }
0x24: {  	s3 =	sadd.s32 $0x88, s3;
	s6 =	simm.s32 @!p1 $0x1082;
	[sflag:s4] =	ssyncset.s32 $0xFFFFF086  }
0x25: {  	[simem:s6], [sflag:s4] =	dma.local [hbm:s3], $0xF7A  }
0x26: {  	[smem:$0x3F9F] =	sst s1;
	(tag) =	ssettag s2;
	_ =	strace s9  }
0x27: {  	s1 =	sld [smem:$0x3FAF]  }
0x28: {  	s2 =	sld [smem:$0x3FB0]  }
0x29: {  	s4 =	sld [smem:$0x3FB2]  }
0x2a: {  	p0 =	seq.s32 s5, $0x0;
	s5 =	sld [smem:$0x3FB3]  }
0x2b: {  	s6 =	sld [smem:$0x3FB4]  }
0x2c: {  	s7 =	sld [smem:$0x3FB5]  }
0x2d: {  	s3 =	simm.s32 $0x108;
	s8 =	sld [smem:$0x3FB6]  }
0x2e: {  	s3 =	simm.s32 @!p0 $0x1082;
	s9 =	sld [smem:$0x3FB7]  }
0x2f: {  	lr =	sadd.s32 s0, s3;
	s0 =	sld [smem:$0x3FAE]  }
0x30: {  	s3 =	sld [smem:$0x3FB1]  }
0x31: {  	[smem:$0x3FBA] =	sst s10  }
0x32: {  	s10 =	sld [smem:$0x3FB8];
	_ =	sdelay $0x3  }
0x33: {  	p0 =	seq.s32 s10, $0x1;
	s10 =	sld [smem:$0x3FBA];
	_ =	sdelay $0x3  }
0x34: {  	[smem:$0x3FBA] =	sst s10  }
0x35: {  	s10 =	sld [smem:$0x3FB9];
	_ =	sdelay $0x3  }
0x36: {  	p1 =	seq.s32 s10, $0x1;
	s10 =	sld [smem:$0x3FBA];
	_ =	sdelay $0x3  }
0x37: {  	[smem:$0x3FBA] =	sst s10  }
0x38: {  	s10 =	sld [smem:$0x3FBB]  }
0x39: {  	_ = 	snop;
	(pc) =	sbr.ind lr, $3  }
0x3a: {  	_ = 	snop  }
0x3b: {  	_ = 	snop  }
0x3c: {  	p2 =	seq.s32 s10, $0x1;
	s10 =	sld [smem:$0x3FBA]  }
0x3d: {  	_ =	shalt  }
0x3e: {  	_ =	shalt  }
0x3f: {  	_ =	shalt  }
0x40: {  	_ =	shalt  }
0x41: {  	_ =	shalt  }
0x42: {  	_ =	shalt  }
0x43: {  	_ =	shalt  }
0x44: {  	_ =	shalt  }
0x45: {  	_ =	shalt  }
0x46: {  	_ =	shalt  }
0x47: {  	_ =	shalt  }
0x48: {  	_ =	shalt  }
0x49: {  	_ =	shalt  }
0x4a: {  	_ =	shalt  }
0x4b: {  	_ =	shalt  }
0x4c: {  	_ =	shalt  }
0x4d: {  	_ =	shalt  }
0x4e: {  	_ =	shalt  }
0x4f: {  	_ =	shalt  }
0x50: {  	_ =	shalt  }
0x51: {  	_ =	shalt  }
0x52: {  	_ =	shalt  }
0x53: {  	_ =	shalt  }
0x54: {  	_ =	shalt  }
0x55: {  	_ =	shalt  }
0x56: {  	_ =	shalt  }
0x57: {  	_ =	shalt  }
0x58: {  	_ =	shalt  }
0x59: {  	_ =	shalt  }
0x5a: {  	_ =	shalt  }
0x5b: {  	_ =	shalt  }
0x5c: {  	_ =	shalt  }
0x5d: {  	_ =	shalt  }
0x5e: {  	_ =	shalt  }
0x5f: {  	_ =	shalt  }
0x60: {  	_ =	shalt  }
0x61: {  	_ =	shalt  }
0x62: {  	_ =	shalt  }
0x63: {  	_ =	shalt  }
0x64: {  	_ =	shalt  }
0x65: {  	_ =	shalt  }
0x66: {  	_ =	shalt  }
0x67: {  	_ =	shalt  }
0x68: {  	_ =	shalt  }
0x69: {  	_ =	shalt  }
0x6a: {  	_ =	shalt  }
0x6b: {  	_ =	shalt  }
0x6c: {  	_ =	shalt  }
0x6d: {  	_ =	shalt  }
0x6e: {  	_ =	shalt  }
0x6f: {  	_ =	shalt  }
0x70: {  	_ =	shalt  }
0x71: {  	_ =	shalt  }
0x72: {  	_ =	shalt  }
0x73: {  	_ =	shalt  }
0x74: {  	_ =	shalt  }
0x75: {  	_ =	shalt  }
0x76: {  	_ =	shalt  }
0x77: {  	_ =	shalt  }
0x78: {  	_ =	shalt  }
0x79: {  	_ =	shalt  }
0x7a: {  	_ =	shalt  }
0x7b: {  	_ =	shalt  }
0x7c: {  	_ =	shalt  }
0x7d: {  	_ =	shalt  }
0x7e: {  	_ =	shalt  }
0x7f: {  	_ =	shalt  }
0x80: {  	_ =	shalt  }
0x81: {  	_ =	shalt  }
0x82: {  	_ =	shalt  }
0x83: {  	_ =	shalt  }
0x84: {  	_ =	shalt  }
0x85: {  	_ =	shalt  }
0x86: {  	_ =	shalt  }
0x87: {  	_ =	shalt  }
.Lfunc_end0:
.L_simem_size_0:
called_computation.1_lowered:
.L_overlay_start_0:
0x88: {  	s2 =	sld [smem:$0x3FD9]  }
0x89: {  	s3 =	sld [smem:$0x3FFE];
	_ =	sdelay $0x1  }
0x8a: {  	s1 =	srdreg.scid  }
0x8b: {  	s0 =	sand.u32 $0x1, s1  }
0x8c: {  	s16 =	sshll.u32 s0, $0xA;
	s2 =	sadd.s32 s3, s2  }
0x8d: {  	s2 =	sadd.s32 s2, s16  }
0x8e: {  	[smem:$0x3FC6] =	sst s2  }
0x8f: {  	_ = 	snop  }
0x90: {  	(tm) =	ssettm $0x1  }
0x91: {  	s17 =	sld [smem:$0x3FFB];
	_ =	sdelay $0x3  }
0x92: {  	_ =	strace s17  }
0x93: {  	s2 =	sld [smem:$0x3FFC];
	_ =	sdelay $0x3  }
0x94: {  	_ =	strace s2  }
0x95: {  	s2 =	sld [smem:$0x3FFD];
	_ =	sdelay $0x3  }
0x96: {  	_ =	strace s2  }
0x97: {  	_ =	strace $0x8FFFFFFF  }
0x98: {  	s18 =	sld [smem:$0x3FDB];
	_ =	sdelay $0x1  }
0x99: {  	s19 =	simm.s32 $_scs_section_size  }
0x9a: {  	s4 =	simm.s32 $_size__tile_overlayer_lowered;
	s5 =	simm.s32 $_tile_overlayer_lowered  }
0x9b: {  	s22 =	simm.s32 $0x1BFF;
	s21 =	sshll.u32 s5, $0x1;
	s2 =	sadd.s32 s19, s18  }
0x9c: {  	s6 =	simm.s32 $0x0;
	s20 =	sshll.u32 s4, $0x1;
	s4 =	sadd.s32 s21, s2  }
0x9d: {  	[timem:s6], [sflag:s22] =	dma.local [hbm:s4], s20  }
0x9e: {  	_ =	swait.ge [sflag:s22], s20  }
0x9f: {  	s3 =	ssub.s32 $0x0, s20;
	[sflag:s22] =	ssyncset.done $0x0  }
0xa0: {  	[sflag:s22] =	ssyncadd.s32 s3;
	_ =	sdelay $0x1  }
0xa1: {  	s23 =	simm.s32 $0x1B8B  }
0xa2: {  	_ =	swait.ge [sflag:s23], $0x1  }
0xa3: {  	[sflag:s23] =	ssyncset.done $0x0  }
0xa4: {  	s25 =	simm.s32 $0x1B8E;
	s24 =	sld [smem:$0x3FFE];
	[sflag:s23] =	ssyncadd.s32 $0xFFFFFFFF  }
0xa5: {  	s26 =	simm.s32 $execute0_lowered;
	[smem:$0x3FD2] =	sst s25  }
0xa6: {  	s4 =	sshll.u32 s26, $0x1;
	_ =	strace $0x80000046;
	[dreg:$0x1] =	wrdreg $0xFFFFFFFF  }
0xa7: {  	s28 =	simm.s32 $_size_execute0_lowered;
	s2 =	sadd.s32 s2, s4;
	[dreg:$0x0] =	wrdreg $0x0  }
0xa8: {  	s4 =	sshll.u32 s28, $0x1;
	[dreg:$0x2] =	wrdreg s2  }
0xa9: {  	[dreg:$0x3] =	wrdreg s4  }
0xaa: {  	[dreg:$0x4] =	wrdreg $0xC0  }
0xab: {  	_ =	task [dreg:s6], $0x5FFFF  }
0xac: {  	[dreg:$0x1] =	wrdreg $0xFFFFFFFF  }
0xad: {  	[dreg:$0x0] =	wrdreg $0x60  }
0xae: {  	[dreg:$0x2] =	wrdreg s24  }
0xaf: {  	[dreg:$0x3] =	wrdreg $0x9  }
0xb0: {  	_ =	task.clear_ibuf [dreg:s6], $0x4FFFF;
	_ =	strace $0x90000046  }
0xb1: {  	s29 =	simm.s32 $0x9;
	_ =	strace $0x80000048  }
0xb2: {  	_ =	swait.ge [sflag:s29], $0x1  }
0xb3: {  	[sflag:s29] =	ssyncadd.s32 $0xFFFFFFFF  }
0xb4: {  	_ =	strace $0x90000048  }
0xb5: {  	_ =	sfence  }
0xb6: {  	s30 =	sld [smem:$0x0];
	_ =	sdelay $0x2  }
0xb7: {  	s31 =	sshll.u32 s1, $0xD;
	s1 =	sshrl.u32 s1, $0x2  }
0xb8: {  	s3 =	sand.u32 $0x4000, s31;
	s1 =	sadd.s32 s1, s30  }
0xb9: {  	s0 =	sor.u32 s3, s0;
	s1 =	sshll.u32 s1, $0x11  }
0xba: {  	s0 =	sor.u32 s1, s0  }
0xbb: {  	s0 =	sadd.s32 $0x8F2B, s0  }
0xbc: {  	[sflag:s0] =	ssyncadd.remote.s32 $0x1  }
0xbd: {  	_ =	sfence.sel $0xFFFF  }
0xbe: {  	[dreg:$0x0] =	wrdreg $0xFFFFFFFF;
	(pc) =	sbr.abs _section_cstart, $3  }
0xbf: {  	[dreg:$0x1] =	wrdreg $0xFFFFFFFF  }
0xc0: {  	_ =	task.clear_ibuf [dreg:s6], $0x2FFFF;
	_ =	strace $0x9FFFFFFF  }
0xc1: {  	(tm) =	ssettm $0x7FFFFFFF  }
tec
execute0_lowered:
.L_overlay_start_1:
0x0: {  	(tag) =	ssettag $0x1  }
0x1: {  	s0 =	srdreg.scid;
	s5 =	stileid.u32  }
0x2: {  	s1 =	rddreg [dreg:$0x0];
	s2 =	simm.s32 $0x0;
	s8 =	simm.s32 $0x32  }
0x3: {  	s28 =	simm.s32 $0xE080;
	s29 =	simm.s32 $0x40;
	s30 =	simm.s32 $0x80  }
0x4: {  	s31 =	simm.s32 $0x9;
	s9 =	simm.s32 $0xC;
	s10 =	simm.s32 $0xD  }
0x5: {  	s11 =	simm.s32 $0xE;
	s12 =	simm.s32 $0xF;
	s13 =	simm.s32 $0x10  }
0x6: {  	s14 =	simm.s32 $0x0;
	s0 =	sand.u32 $0x1, s0;
	s3 =	sshll.u32 s5, $0xA  }
0x7: {  	[smem:$0x7FF] =	sst s2;
	s25 =	smul.u32 $0xE0000, s5;
	s4 =	sshll.u32 s0, $0x9  }
0x8: {  	s26 =	ssub.s32 $0x2, s0;
	s0 =	smul.u32 $0x70000, s0;
	s3 =	sor.u32 s4, s3  }
0x9: {  	_ =	strace $0x80000047;
	s7 =	sshrl.u32 s26, $0x1;
	s3 =	smul.u32 $0x7, s3  }
0xa: {  	s5 =	ssub.s32 s26, s7;
	s7 =	simm.s32 $0x11;
	s26 =	simm.s32 $0x1F8  }
0xb: {  	s6 =	sadd.s32 s3, s1;
	s3 =	sadd.s32 $0x1C800, s1;
	s1 =	sadd.s32 s25, s1  }
0xc: {  	s5 =	smax.u32 s5, $0x1;
	s4 =	sadd.s32 $0x800, s6;
	s0 =	sadd.s32 s0, s1  }
0xd: {  	s1 =	simm.s32 $0xA;
	s6 =	sadd.s32 $0xDFE00, s0;
	s0 =	simm.s32 $0xB  }
.LBB2_1:
0xe: {  	[tilespmem:s2], [sflag:$0x11] =	stream.linear.gather [hbm4b:s4+s2], $0x7000, $0x38;
	[tilespmem:$0x13800] =	vst v63  }
0xf: {  	_ =	swait.ge [sflag:s7], $0x7000  }
0x10: {  	[sflag:s7] =	ssyncset.done $0x0  }
0x11: {  	s15 =	simm.s32 $0x7000;
	[sflag:s7] =	ssyncadd.s32 $0xFFFF9000  }
0x12: {  	[tilespmem:s15], [sflag:$0x1] =	stream.indirect.gather [hbm4b:s3+s8], $0x40, s2, s8, $0xb8;
	[tilespmem:$0x13800] =	vst v63  }
0x13: {  	s17 =	simm.s32 $0x38;
	s16 =	simm.s32 $0x7C80  }
0x14: {  	[tilespmem:s16], [sflag:$0x1] =	stream.indirect.gather [hbm4b:s3+s8], $0x40, s17, s8, $0xb8;
	[tilespmem:$0x13800] =	vst v63  }
0x15: {  	s18 =	simm.s32 $0x70;
	s19 =	simm.s32 $0x8900  }
0x16: {  	[tilespmem:s19], [sflag:$0x2] =	stream.indirect.gather [hbm4b:s3+s8], $0x40, s18, s8, $0xb8;
	[tilespmem:$0x13800] =	vst v63  }
0x17: {  	s20 =	simm.s32 $0xA8;
	s21 =	simm.s32 $0x9580  }
0x18: {  	[tilespmem:s21], [sflag:$0x2] =	stream.indirect.gather [hbm4b:s3+s8], $0x40, s20, s8, $0xb8;
	[tilespmem:$0x13800] =	vst v63  }
0x19: {  	s22 =	simm.s32 $0xE0;
	s23 =	simm.s32 $0xA200  }
0x1a: {  	[tilespmem:s23], [sflag:$0x3] =	stream.indirect.gather [hbm4b:s3+s8], $0x40, s22, s8, $0xb8;
	[tilespmem:$0x13800] =	vst v63  }
0x1b: {  	s24 =	simm.s32 $0x118;
	s25 =	simm.s32 $0xAE80  }
0x1c: {  	[tilespmem:s25], [sflag:$0x3] =	stream.indirect.gather [hbm4b:s3+s8], $0x40, s24, s8, $0xb8;
	[tilespmem:$0x13800] =	vst v63  }
0x1d: {  	s16 =	simm.s32 $0x150;
	s17 =	simm.s32 $0xBB00  }
0x1e: {  	[tilespmem:s17], [sflag:$0x4] =	stream.indirect.gather [hbm4b:s3+s8], $0x40, s16, s8, $0xb8;
	[tilespmem:$0x13800] =	vst v63  }
0x1f: {  	s18 =	simm.s32 $0x188;
	s19 =	simm.s32 $0xC780  }
0x20: {  	[tilespmem:s19], [sflag:$0x4] =	stream.indirect.gather [hbm4b:s3+s8], $0x40, s18, s8, $0xb8;
	[tilespmem:$0x13800] =	vst v63  }
0x21: {  	s20 =	simm.s32 $0x1C0;
	s21 =	simm.s32 $0xD400;
	s22 =	sand.u32 $0x7, s2  }
0x22: {  	[tilespmem:s21], [sflag:$0x5] =	stream.indirect.gather [hbm4b:s3+s8], $0x40, s20, s8, $0xb8;
	[tilespmem:$0x13800] =	vst v63  }
0x23: {  	s23 =	sadd.s32 $0x1, s22  }
0x24: {  	[tilespmem:s28], [sflag:$0x5] =	stream.indirect.gather [hbm4b:s3+s8], $0x40, s26, s8, $0xb8;
	[tilespmem:$0x13800] =	vst v63  }
0x25: {  	_ =	swait.ge [sflag:s23], $0xC80  }
0x26: {  	p0 =	por $0x0, $0x0;
	[sflag:s23] =	ssyncset.done $0x0  }
0x27: {  	p1 =	por @!p0 $0x1, $0x1;
	s17 =	smul.u32 $0x6400, s22;
	[sflag:s23] =	ssyncadd.s32 $0xFFFFF380  }
0x28: {  	p1 =	por p1, p0;
	s15 =	sadd.s32 $0x9, s22;
	_ =	swait.ge [sflag:s23], $0xC80  }
0x29: {  	s17 =	sshrl.u32 s17, $0x2;
	s19 =	simm.s32 $0x5;
	[sflag:s23] =	ssyncset.done $0x0  }
0x2a: {  	s24 =	sadd.s32 $0x7000, s17;
	s20 =	sand.u32 $0x7, s19;
	[sflag:s23] =	ssyncadd.s32 $0xFFFFF380  }
0x2b: {  	[hbm4b:s6+s29] =	stream.strided.scatter [tilespmem:s24], [sflag:s15], $0xC80, s30, s29, $0x38;
	[tilespmem:$0x13800] =	vst v63  }
0x2c: {  	s18 =	sadd.s32 $0x380, s6;
	s25 =	sadd.s32 $0x7C80, s17;
	s17 =	smul.u32 @!p0 $0x6400, s20  }
0x2d: {  	[hbm4b:s18+s29] =	stream.strided.scatter [tilespmem:s25], [sflag:s15], $0xC80, s30, s29, $0x38;
	[tilespmem:$0x13800] =	vst v63  }
0x2e: {  	s17 =	sshrl.u32 @!p0 s17, $0x2;
	s15 =	sadd.s32 @!p1 $0x9, s20  }
0x2f: {  	s19 =	simm.s32 @!p0 $0x32;
	s16 =	sadd.s32 @!p0 $0x7000, s17;
	_ =	swait.ge @!p1 [sflag:s15], $0x1900  }
0x30: {  	s21 =	sadd.s32 @!p0 $0x7C80, s17;
	s17 =	sadd.s32 $0x700, s6;
	[sflag:s15] =	ssyncset.done @!p1 $0x0  }
0x31: {  	s18 =	simm.s32 @!p0 $0x230;
	s20 =	sadd.s32 @!p0 $0x1, s20;
	[sflag:s15] =	ssyncadd.s32 @!p1 $0xFFFFE700  }
0x32: {  	[tilespmem:s16], [sflag:s20] =	stream.indirect.gather @!p0 [hbm4b:s3+s19], $0x40, s18, s19, $0xb8;
	[tilespmem:$0x13800] =	vst v63  }
0x33: {  	s15 =	simm.s32 $0x268;
	s16 =	simm.s32 $0x1;
	s18 =	simm.s32 $0x268  }
.LBB2_2:
0x34: {  	s22 =	sand.u32 $0x7, s16  }
0x35: {  	s15 =	sadd.s32 $0x70, s15;
	s23 =	smov.u32 s16;
	s16 =	sadd.s32 $0x1, s16  }
0x36: {  	[tilespmem:s21], [sflag:s20] =	stream.indirect.gather @!p0 [hbm4b:s3+s19], $0x40, s18, s19, $0xb8;
	[tilespmem:$0x13800] =	vst v63  }
0x37: {  	s19 =	sadd.s32 $0x1, s22;
	s20 =	smul.u32 $0x6400, s22;
	p1 =	sne.s32 s16, $0x100  }
0x38: {  	s18 =	smov.u32 s15;
	_ =	swait.ge [sflag:s19], $0xC80  }
0x39: {  	s20 =	sshrl.u32 s20, $0x2;
	[sflag:s19] =	ssyncset.done $0x0  }
0x3a: {  	s21 =	sadd.s32 $0x380, s17;
	[sflag:s19] =	ssyncadd.s32 $0xFFFFF380  }
0x3b: {  	s22 =	sadd.s32 $0x9, s22;
	s24 =	sadd.s32 $0x5, s23;
	_ =	swait.ge [sflag:s19], $0xC80  }
0x3c: {  	p0 =	sgt.u32 s23, $0xFA;
	s24 =	sand.u32 $0x7, s24;
	[sflag:s19] =	ssyncset.done $0x0  }
0x3d: {  	p2 =	slt.u32 @!p0 s23, $0x3;
	[sflag:s19] =	ssyncadd.s32 $0xFFFFF380;
	s19 =	sadd.s32 $0x7000, s20  }
0x3e: {  	[hbm4b:s17+s29] =	stream.strided.scatter [tilespmem:s19], [sflag:s22], $0xC80, s30, s29, $0x38;
	[tilespmem:$0x13800] =	vst v63  }
0x3f: {  	p2 =	por p2, p0;
	s19 =	sadd.s32 $0x7C80, s20;
	s20 =	smul.u32 @!p0 $0x6400, s24  }
0x40: {  	[hbm4b:s21+s29] =	stream.strided.scatter [tilespmem:s19], [sflag:s22], $0xC80, s30, s29, $0x38;
	[tilespmem:$0x13800] =	vst v63  }
0x41: {  	s22 =	sadd.s32 @!p2 $0x9, s24  }
.Ltmp0:
0x42: {  	s20 =	sshrl.u32 @!p0 s20, $0x2;
	s19 =	simm.s32 @!p0 $0x32;
	(pc) =	sbr.rel @p1 .LBB2_2-.Ltmp0, $4  }
0x43: {  	s23 =	sadd.s32 @!p0 $0x7000, s20;
	s21 =	sadd.s32 @!p0 $0x7C80, s20;
	_ =	swait.ge @!p2 [sflag:s22], $0x1900  }
0x44: {  	s25 =	sadd.s32 @!p0 $0xFFFFFFC8, s15;
	s20 =	sadd.s32 @!p0 $0x1, s24;
	[sflag:s22] =	ssyncset.done @!p2 $0x0  }
0x45: {  	s17 =	sadd.s32 $0x700, s17;
	[sflag:s22] =	ssyncadd.s32 @!p2 $0xFFFFE700  }
0x46: {  	[tilespmem:s23], [sflag:s20] =	stream.indirect.gather @!p0 [hbm4b:s3+s19], $0x40, s25, s19, $0xb8;
	[tilespmem:$0x13800] =	vst v63  }
0x47: {  	[tilespmem:s21], [sflag:s20] =	stream.indirect.gather @!p0 [hbm4b:s3+s19], $0x40, s18, s19, $0xb8;
	[tilespmem:$0x13800] =	vst v63  }
0x48: {  	_ =	swait.ge [sflag:s31], $0x1900  }
0x49: {  	[sflag:s31] =	ssyncset.done $0x0  }
0x4a: {  	[sflag:s31] =	ssyncadd.s32 $0xFFFFE700  }
0x4b: {  	_ =	swait.ge [sflag:s1], $0x1900  }
0x4c: {  	[sflag:s1] =	ssyncset.done $0x0  }
0x4d: {  	[sflag:s1] =	ssyncadd.s32 $0xFFFFE700  }
0x4e: {  	_ =	swait.ge [sflag:s0], $0x1900  }
0x4f: {  	[sflag:s0] =	ssyncset.done $0x0  }
0x50: {  	[sflag:s0] =	ssyncadd.s32 $0xFFFFE700  }
0x51: {  	_ =	swait.ge [sflag:s9], $0x1900  }
0x52: {  	[sflag:s9] =	ssyncset.done $0x0  }
0x53: {  	[sflag:s9] =	ssyncadd.s32 $0xFFFFE700  }
0x54: {  	_ =	swait.ge [sflag:s10], $0x1900  }
0x55: {  	[sflag:s10] =	ssyncset.done $0x0  }
0x56: {  	[sflag:s10] =	ssyncadd.s32 $0xFFFFE700  }
0x57: {  	_ =	swait.ge [sflag:s11], $0x1900  }
0x58: {  	[sflag:s11] =	ssyncset.done $0x0  }
0x59: {  	s14 =	sadd.s32 $0x1, s14;
	[sflag:s11] =	ssyncadd.s32 $0xFFFFE700  }
0x5a: {  	p0 =	sne.s32 s14, s5;
	_ =	swait.ge [sflag:s12], $0x1900  }
.Ltmp1:
0x5b: {  	[sflag:s12] =	ssyncset.done $0x0;
	(pc) =	sbr.rel @p0 .LBB2_1-.Ltmp1, $4  }
0x5c: {  	[sflag:s12] =	ssyncadd.s32 $0xFFFFE700  }
0x5d: {  	_ =	swait.ge [sflag:s13], $0x1900  }
0x5e: {  	[sflag:s13] =	ssyncset.done $0x0  }
0x5f: {  	[sflag:s13] =	ssyncadd.s32 $0xFFFFE700  }
0x60: {  	_ =	sfence.sel $0x180000  }
0x61: {  	[bflag:$0x0] =	sbarrier.arrive $0xFFFF  }
0x62: {  	_ =	strace $0x90000047  }
0x63: {  	s0 =	stileid.u32;
	[bflag:$0x2] =	sbarrier.arrive $0xFFFF  }
0x64: {  	p0 =	sne.s32 s0, $0x0;
	s0 =	rddreg [dreg:$0x1]  }
0x65: {  	s0 =	sadd.s32 @!p0 $0x100000, s0  }
0x66: {  	[sflag:s0] =	ssyncadd.tile.s32 @!p0 $0x1;
	_ =	shalt  }
.Lfunc_end2:
_tile_overlayer_lowered:
.L_overlay_start_2:
0x67: {  	(tag) =	ssettag $0x2  }
0x68: {  	s0 =	rddreg [dreg:$0x0];
	s2 =	stileid.u32  }
0x69: {  	s1 =	rddreg [dreg:$0x1];
	p0 =	sne.s32 s2, $0x0  }
0x6a: {  	s3 =	rddreg [dreg:$0x2];
	[bflag:$0x3] =	sbarrier.arrive $0xFFFF;
	s2 =	simm.s32 @!p0 $0x1C11  }
0x6b: {  	[timem:s3], [sflag:s2] =	dma.local @!p0 [hbm:s0], s1  }
0x6c: {  	s0 =	simm.s32 @!p0 $0x11  }
0x6d: {  	_ =	swait.ge @!p0 [sflag:s0], s1  }
0x6e: {  	s1 =	ssub.s32 @!p0 $0x0, s1;
	[sflag:s0] =	ssyncset.done @!p0 $0x0  }
0x6f: {  	[sflag:s0] =	ssyncadd.s32 @!p0 s1  }
0x70: {  	[bflag:$0x3] =	sbarrier.arrive $0xFFFF  }
0x71: {  	_ =	shalt  }

// kernel: sparse-core-data-format-call.cloned.1.call-start
scs
called_computation_lowered:
.L_overlay_start_0:
0x0: {  	s2 =	sld [smem:$0x3FD9]  }
0x1: {  	s3 =	sld [smem:$0x3FFE];
	_ =	sdelay $0x1  }
0x2: {  	s1 =	srdreg.scid  }
0x3: {  	s0 =	sand.u32 $0x1, s1  }
0x4: {  	s18 =	sshll.u32 s0, $0xA;
	s2 =	sadd.s32 s3, s2  }
0x5: {  	s2 =	sadd.s32 s2, s18  }
0x6: {  	[smem:$0x3FC6] =	sst s2  }
0x7: {  	_ = 	snop  }
0x8: {  	s2 =	sld [smem:$0x3FD0];
	(tm) =	ssettm $0x1  }
0x9: {  	s19 =	sld [smem:$0x3FFB];
	_ =	sdelay $0x3  }
0xa: {  	_ =	strace s19  }
0xb: {  	s3 =	sld [smem:$0x3FFC];
	_ =	sdelay $0x3  }
0xc: {  	_ =	strace s3  }
0xd: {  	s3 =	sld [smem:$0x3FFD];
	_ =	sdelay $0x3  }
0xe: {  	_ =	strace s3  }
0xf: {  	_ =	strace $0x8FFFFFFF  }
0x10: {  	s20 =	sld [smem:$0x3FDB];
	_ =	sdelay $0x1  }
0x11: {  	s4 =	simm.s32 $_scs_section_size  }
0x12: {  	s5 =	simm.s32 $_size__tile_overlayer_lowered;
	s6 =	simm.s32 $_tile_overlayer_lowered  }
0x13: {  	s23 =	simm.s32 $0x1BFF;
	s22 =	sshll.u32 s6, $0x1;
	s3 =	sadd.s32 s4, s20  }
0x14: {  	s7 =	simm.s32 $0x0;
	s21 =	sshll.u32 s5, $0x1;
	s5 =	sadd.s32 s22, s3  }
0x15: {  	[timem:s7], [sflag:s23] =	dma.local [hbm:s5], s21  }
0x16: {  	_ =	swait.ge [sflag:s23], s21  }
0x17: {  	s4 =	ssub.s32 $0x0, s21;
	[sflag:s23] =	ssyncset.done $0x0  }
0x18: {  	[sflag:s23] =	ssyncadd.s32 s4;
	_ =	sdelay $0x1  }
0x19: {  	s24 =	simm.s32 $0x1B8B  }
0x1a: {  	_ =	swait.ge [sflag:s24], $0x1  }
0x1b: {  	[sflag:s24] =	ssyncset.done $0x0  }
0x1c: {  	s26 =	simm.s32 $0x1B8E;
	s25 =	sld [smem:$0x3FFE];
	[sflag:s24] =	ssyncadd.s32 $0xFFFFFFFF  }
0x1d: {  	s27 =	simm.s32 $execute0_lowered;
	[smem:$0x3FD2] =	sst s26  }
0x1e: {  	s5 =	sshll.u32 s27, $0x1;
	_ =	strace $0x80000049;
	[dreg:$0x1] =	wrdreg $0xFFFFFFFF  }
0x1f: {  	s28 =	simm.s32 $_size_execute0_lowered;
	s3 =	sadd.s32 s3, s5;
	[dreg:$0x0] =	wrdreg $0x0  }
0x20: {  	s5 =	sshll.u32 s28, $0x1;
	[dreg:$0x2] =	wrdreg s3  }
0x21: {  	[dreg:$0x3] =	wrdreg s5  }
0x22: {  	[dreg:$0x4] =	wrdreg $0xC0  }
0x23: {  	_ =	task [dreg:s7], $0x5FFFF  }
0x24: {  	[dreg:$0x1] =	wrdreg $0xFFFFFFFF  }
0x25: {  	[dreg:$0x0] =	wrdreg $0x60  }
0x26: {  	[dreg:$0x2] =	wrdreg s25  }
0x27: {  	[dreg:$0x3] =	wrdreg s2  }
0x28: {  	[dreg:$0x4] =	wrdreg $0x9  }
0x29: {  	_ =	task.clear_ibuf [dreg:s7], $0x5FFFF;
	_ =	strace $0x90000049  }
0x2a: {  	s29 =	simm.s32 $0x9;
	_ =	strace $0x8000004B  }
0x2b: {  	_ =	swait.ge [sflag:s29], $0x1  }
0x2c: {  	[sflag:s29] =	ssyncadd.s32 $0xFFFFFFFF  }
0x2d: {  	_ =	strace $0x9000004B  }
0x2e: {  	_ =	sfence  }
0x2f: {  	s30 =	sld [smem:$0x0];
	_ =	sdelay $0x2  }
0x30: {  	s31 =	sshll.u32 s1, $0xD;
	s1 =	sshrl.u32 s1, $0x2  }
0x31: {  	s3 =	sand.u32 $0x4000, s31;
	s1 =	sadd.s32 s1, s30  }
0x32: {  	s0 =	sor.u32 s3, s0;
	s1 =	sshll.u32 s1, $0x11  }
0x33: {  	s0 =	sor.u32 s1, s0  }
0x34: {  	s0 =	sadd.s32 $0x8F2B, s0  }
0x35: {  	[sflag:s0] =	ssyncadd.remote.s32 $0x1  }
0x36: {  	_ =	sfence.sel $0xFFFF  }
0x37: {  	[dreg:$0x0] =	wrdreg $0xFFFFFFFF;
	(pc) =	sbr.abs _section_cstart, $3  }
0x38: {  	[dreg:$0x1] =	wrdreg $0xFFFFFFFF  }
0x39: {  	_ =	task.clear_ibuf [dreg:s7], $0x2FFFF;
	_ =	strace $0x9FFFFFFF  }
0x3a: {  	(tm) =	ssettm $0x7FFFFFFF  }
0x3b: {  	_ =	shalt  }
tec
execute0_lowered:
.L_overlay_start_1:
0x0: {  	(tag) =	ssettag $0x1  }
0x1: {  	s0 =	srdreg.scid  }
0x2: {  	s1 =	sshll.u32 s0, $0x4  }
0x3: {  	s0 =	stileid.u32;
	s1 =	sand.u32 $0x10, s1  }
0x4: {  	s1 =	sor.u32 s0, s1  }
0x5: {  	s6 =	rddreg [dreg:$0x0];
	s4 =	simm.s32 $0x1;
	s2 =	sshll.u32 s1, $0x7  }
0x6: {  	s7 =	simm.s32 $0x2;
	s12 =	simm.s32 $0x0;
	s1 =	ssub.s32 $0x4000, s2  }
0x7: {  	s8 =	simm.s32 $0x20000;
	s13 =	simm.s32 $0x0;
	s3 =	sand.u32 $0xF80, s1  }
0x8: {  	s9 =	simm.s32 $0x0;
	s5 =	sshrl.u32 s1, $0xC;
	p0 =	sne.s32 s3, $0x0  }
.Ltmp0:
0x9: {  	s1 =	rddreg [dreg:$0x2];
	s4 =	simm.s32 @!p0 $0x0;
	(pc) =	sbr.rel .LBB1_1-.Ltmp0, $4  }
0xa: {  	s11 =	simm.s32 $0x0;
	s3 =	rddreg [dreg:$0x1];
	s5 =	sadd.s32 s4, s5  }
0xb: {  	_ =	strace $0x8000004A;
	s4 =	simm.s32 $0x1;
	s5 =	smul.u32 $0x32, s5  }
0xc: {  	s6 =	sadd.s32 $0xDFE00, s6;
	s10 =	smov.u32 s2;
	[sflag:s4] =	ssyncpa.u1 $0x0  }
0xd: {  	p0 =	por $0x0, $0x0;
	[sflag:s7] =	ssyncpa.u1 $0x0;
	s7 =	sor.u32 $0x1, s5  }
.LBB1_4:
0xe: {  	s16 =	sshll.u32 s13, $0x3;
	s17 =	sand.u32 $0x78, s13  }
0xf: {  	s30 =	sand.u32 $0x1F800, s13;
	s12 =	sshll.u32 s12, $0x11;
	s16 =	sand.u32 $0x3C00, s16  }
0x10: {  	[tilespmem:s15+$0x810 ss:$0x81] =	vst.msk $0xffff, v2;
	s31 =	sand.u32 $0x7, s13;
	s16 =	sor.u32 s17, s16;
	s17 =	sadd.s32 s3, s30  }
0x11: {  	[tilespmem:s15+$0x1020 ss:$0x81] =	vst.msk $0xffff, v0;
	s13 =	sshll.u32 s31, $0x12;
	s12 =	sadd.s32 s12, s17;
	s16 =	sshrl.u32 s16, $0x3  }
0x12: {  	[tilespmem:s15+$0x0 ss:$0x81] =	vst.msk $0xffff, v1;
	s13 =	sor.u32 $0x400, s13;
	s12 =	sadd.s32 s16, s12  }
0x13: {  	[hbm4b:s12+s13] =	stream.strided.scatter [tilespmem:s14], [sflag:$0x2], $0x2000, s8, s13, $0x20;
	[tilespmem:$0x8080] =	vst v63  }
.LBB1_5:
0x14: {  	s14 =	sadd.s32 $0x1, s9  }
0x15: {  	s12 =	sadd.s32 $0x1000, s10;
	s16 =	smov.u32 s10;
	p2 =	sgt.s32 s14, $0x31  }
0x16: {  	s16 =	smov.u32 @p2 s12  }
0x17: {  	s14 =	simm.s32 @p2 $0x0;
	p2 =	sgt.s32 s16, $0x3FFF  }
0x18: {  	s16 =	smov.u32 @p2 s2;
	p2 =	sne.s32 s11, s7  }
.Ltmp1:
0x19: {  	p1 =	slt.u32 s11, $0x2;
	(pc) =	sbr.rel @!p2 .LBB1_6-.Ltmp1, $4  }
0x1a: {  	s15 =	simm.s32 @!p1 $0x2  }
0x1b: {  	s13 =	smov.u32 s10;
	p0 =	por !p0, !p0;
	_ =	swait.ge @!p1 [sflag:s15], $0x2000  }
0x1c: {  	s12 =	smov.u32 s9;
	[sflag:s15] =	ssyncset.done @!p1 $0x0;
	s9 =	smov.u32 s14  }
0x1d: {  	s11 =	sadd.s32 $0x1, s11;
	[sflag:s15] =	ssyncadd.s32 @!p1 $0xFFFFE000;
	s10 =	smov.u32 s16  }
.LBB1_1:
0x1e: {  	p1 =	sge.u32 s11, s5  }
0x1f: {  	s14 =	sand.u32 @!p1 $0x1FFFFFF, s9  }
0x20: {  	s15 =	smulhi.u32 @!p1 $0x4924925, s14;
	_ =	sdelay $0x1  }
0x21: {  	s15 =	smul.u32 @!p1 $0x38, s15  }
0x22: {  	s16 =	sxor.u32 @!p1 $0xFFFFFFFF, s11;
	s17 =	smul.u32 @!p1 $0x380, s10  }
0x23: {  	s31 =	sadd.s32 $0xFFFFFFFF, s11;
	s16 =	sshll.u32 @!p1 s16, $0xD;
	s14 =	ssub.s32 @!p1 s14, s15  }
0x24: {  	s15 =	sand.u32 @!p1 $0x2000, s16;
	s16 =	sadd.s32 @!p1 s6, s17;
	s14 =	sshll.u32 @!p1 s14, $0x4  }
0x25: {  	s17 =	simm.s32 @!p1 $0x1C00;
	s14 =	sadd.s32 @!p1 s14, s16;
	s16 =	simm.s32 @!p1 $0x40  }
0x26: {  	[tilespmem:s15], [sflag:$0x1] =	stream.strided.gather @!p1 [hbm4b:s14+s16], $0x2000, s17, s16, $0x38;
	[tilespmem:$0x8080] =	vst v63  }
0x27: {  	p1 =	sge.u32 s31, s5  }
.Ltmp2:
0x28: {  	_ = 	snop;
	(pc) =	sbr.rel @p1 .LBB1_5-.Ltmp2, $1  }
0x29: {  	_ =	sdelay $0x3  }
0x2a: {  	s14 =	simm.s32 $0x1  }
0x2b: {  	_ =	swait.ge [sflag:s4], $0x2000;
	s14 =	simm.s32 @!p0 $0x0  }
0x2c: {  	[sflag:s4] =	ssyncset.done $0x0;
	s15 =	sshll.u32 s14, $0xD  }
0x2d: {  	[sflag:s4] =	ssyncadd.s32 $0xFFFFE000;
	s18 =	sor.u32 $0x20, s15  }
0x2e: {  	s14 =	smul.u32 $0x8100, s14;
	v3 =	vld [tilespmem:s18+$0x10]  }
0x2f: {  	s30 =	sand.u32 $0x1, s11;
	v2 =	vld [tilespmem:s18+$0xFFFFFFF0]  }
0x30: {  	s15 =	smul.u32 $0x8100, s30;
	s14 =	sshrl.u32 s14, $0x2;
	v0 =	vld [tilespmem:s18+$0x0]  }
0x31: {  	v1 =	vld [tilespmem:s18+$0xFFFFFFE0];
	s16 =	sor.u32 $0x4000, s14  }
0x32: {  	s31 =	sshrl.u32 s15, $0x2;
	s15 =	sadd.s32 $0x0, s16  }
0x33: {  	s17 =	simm.s32 $0x4;
	s18 =	sadd.s32 $0x40, s18;
	s14 =	sor.u32 $0x4000, s31;
	[tilespmem:s15+$0x1830 ss:$0x81] =	vst.msk $0xffff, v3  }
.LBB1_3:
0x34: {  	v3 =	vld [tilespmem:s18+$0x10];
	p1 =	sne.s32 s17, $0x1FC;
	[tilespmem:s15+$0x810 ss:$0x81] =	vst.msk $0xffff, v2;
	s19 =	smov.u32 s17;
	s17 =	sadd.s32 $0x4, s17  }
.Ltmp3:
0x35: {  	v2 =	vld [tilespmem:s18+$0xFFFFFFF0];
	[tilespmem:s15+$0x1020 ss:$0x81] =	vst.msk $0xffff, v0;
	(pc) =	sbr.rel @p1 .LBB1_3-.Ltmp3, $4  }
0x36: {  	v0 =	vld [tilespmem:s18+$0x0];
	[tilespmem:s15+$0x0 ss:$0x81] =	vst.msk $0xffff, v1  }
0x37: {  	s15 =	sshra.s32 s19, $0x2;
	v1 =	vld [tilespmem:s18+$0xFFFFFFE0]  }
0x38: {  	s15 =	sadd.s32 s15, s16  }
0x39: {  	s18 =	sadd.s32 $0x40, s18;
	[tilespmem:s15+$0x1830 ss:$0x81] =	vst.msk $0xffff, v3  }
.Ltmp4:
0x3a: {  	_ = 	snop;
	(pc) =	sbr.rel .LBB1_4-.Ltmp4, $1  }
0x3b: {  	_ =	sdelay $0x3  }
.LBB1_6:
0x3c: {  	_ =	sfence.sel $0x180000  }
0x3d: {  	s2 =	simm.s32 $0x1;
	[bflag:$0x0] =	sbarrier.arrive $0xFFFF  }
0x3e: {  	s31 =	simm.s32 $0x2;
	[sflag:s2] =	ssyncpa.u1 $0x1  }
0x3f: {  	[sflag:s31] =	ssyncpa.u1 $0x1  }
0x40: {  	p0 =	sne.s32 s0, $0x0;
	_ =	strace $0x9000004A  }
0x41: {  	s0 =	sadd.s32 @!p0 $0x100000, s1;
	[bflag:$0x2] =	sbarrier.arrive $0xFFFF  }
0x42: {  	[sflag:s0] =	ssyncadd.tile.s32 @!p0 $0x1;
	_ =	shalt  }
.Lfunc_end1:
_tile_overlayer_lowered:
.L_overlay_start_2:
0x43: {  	(tag) =	ssettag $0x2  }
0x44: {  	s0 =	rddreg [dreg:$0x0];
	s2 =	stileid.u32  }
0x45: {  	s1 =	rddreg [dreg:$0x1];
	p0 =	sne.s32 s2, $0x0  }
0x46: {  	s3 =	rddreg [dreg:$0x2];
	[bflag:$0x3] =	sbarrier.arrive $0xFFFF;
	s2 =	simm.s32 @!p0 $0x1C01  }
0x47: {  	[timem:s3], [sflag:s2] =	dma.local @!p0 [hbm:s0], s1  }
0x48: {  	s0 =	simm.s32 @!p0 $0x1  }
0x49: {  	_ =	swait.ge @!p0 [sflag:s0], s1  }
0x4a: {  	s1 =	ssub.s32 @!p0 $0x0, s1;
	[sflag:s0] =	ssyncset.done @!p0 $0x0  }
0x4b: {  	[sflag:s0] =	ssyncadd.s32 @!p0 s1  }
0x4c: {  	[bflag:$0x3] =	sbarrier.arrive $0xFFFF  }
0x4d: {  	_ =	shalt  }

</sc_bundles>
